<compile_context>
chip_gen: v7x
topology: tpu7x:2x2x1
jax: 0.10.2.dev20260603
libtpu: 0.0.44.dev20260713+nightly
codegen_flags: <defaults>
</compile_context>

<pallas_src>
import functools

import jax
import jax.numpy as jnp
from jax import lax
from jax.experimental import pallas as pl
from jax.experimental.pallas import tpu as pltpu
from jax.experimental.pallas import tpu_sc as plsc

BATCH = 4096
HIST = 50
D = 64
NC = 2
NS = 16
NW = NC * NS
BPW = BATCH // NW
LANES = 16
PAIRS = 500000

_sc_mesh = plsc.VectorSubcoreMesh(core_axis_name="c", subcore_axis_name="s")


@functools.partial(
    pl.kernel,
    out_type=(
        jax.ShapeDtypeStruct((BATCH, 2 * D), jnp.float32),
        jax.ShapeDtypeStruct((BATCH, 2 * D), jnp.float32),
    ),
    mesh=_sc_mesh,
    scratch_types=[
        pltpu.VMEM((HIST, BPW), jnp.int32),
        pltpu.VMEM((HIST, BPW), jnp.int32),
        pltpu.VMEM((HIST, BPW), jnp.int32),
        pltpu.VMEM((BPW, 2 * D), jnp.float32),
        pltpu.VMEM((BPW, 2 * D), jnp.float32),
        pltpu.SemaphoreType.DMA,
        pltpu.SemaphoreType.DMA,
    ],
)
def _pool(xt_hbm, tbl2_hbm, outa_hbm, outb_hbm,
          idx_v, ga_v, gb_v, acca_v, accb_v, sem_i, sem_g):
    wid = lax.axis_index("s") * NC + lax.axis_index("c")
    base = wid * BPW

    idx_cp = pltpu.async_copy(xt_hbm.at[:, pl.ds(base, BPW)], idx_v, sem_i)

    zero = jnp.zeros((LANES,), jnp.float32)

    def zbody(i, carry):
        for k in range(2 * D // LANES):
            sl = pl.ds(k * LANES, LANES)
            acca_v[i, sl] = zero
            accb_v[i, sl] = zero
        return carry

    lax.fori_loop(0, BPW, zbody, 0)
    idx_cp.wait()

    def pbody(l, carry):
        for k in range(BPW // LANES):
            sl = pl.ds(k * LANES, LANES)
            v = idx_v[l, sl]
            p = v & 1
            pid = lax.shift_right_logical(v, 1)
            ga_v[l, sl] = pid * (1 - p)
            gb_v[l, sl] = pid * p
        return carry

    lax.fori_loop(0, HIST, pbody, 0)

    def fire(l, carry):
        pltpu.async_copy(tbl2_hbm.at[ga_v.at[l]], acca_v, sem_g, add=True)
        pltpu.async_copy(tbl2_hbm.at[gb_v.at[l]], accb_v, sem_g, add=True)
        return carry

    lax.fori_loop(0, HIST, fire, 0)

    def drain(l, carry):
        pltpu.make_async_copy(tbl2_hbm.at[ga_v.at[0]], acca_v, sem_g).wait()
        pltpu.make_async_copy(tbl2_hbm.at[gb_v.at[0]], accb_v, sem_g).wait()
        return carry

    lax.fori_loop(0, HIST, drain, 0)
    pltpu.sync_copy(acca_v, outa_hbm.at[pl.ds(base, BPW)])
    pltpu.sync_copy(accb_v, outb_hbm.at[pl.ds(base, BPW)])


def _tr_body(x_ref, o_ref):
    o_ref[...] = x_ref[...].T


_transpose = pl.pallas_call(
    _tr_body,
    out_shape=jax.ShapeDtypeStruct((HIST, BATCH), jnp.int32),
)


def _linear_body(a_ref, b2_ref, x_ref, t01_ref, w_ref, b_ref, o_ref):
    cnt_odd = jnp.sum((x_ref[...] & 1).astype(jnp.float32), axis=1,
                      keepdims=True)
    cnt_even = jnp.float32(HIST) - cnt_odd
    sums = (a_ref[:, :D] + b2_ref[:, D:]
            - cnt_odd * t01_ref[0:1, :] - cnt_even * t01_ref[1:2, :])
    pooled = sums * (1.0 / HIST)
    o_ref[...] = lax.dot_general(
        pooled, w_ref[...],
        dimension_numbers=(((1,), (1,)), ((), ())),
        preferred_element_type=jnp.float32,
    ) + b_ref[...]


_linear = pl.pallas_call(
    _linear_body,
    out_shape=jax.ShapeDtypeStruct((BATCH, D), jnp.float32),
)


def kernel(x, table, W, b):
    xt = _transpose(x)
    tbl2 = table.reshape(PAIRS, 2 * D)
    acc_a, acc_b = _pool(xt, tbl2)
    return _linear(acc_a, acc_b, x, table[0:2], W, b.reshape(1, D))

# --- scband reference (transcript-rebuilt; emitter-appended) ---
"""Pipeline reference for scband-query-tower-87522843558117 (READ-ONLY COPY).

The authoritative reference and input builder live on the scoring server;
editing this copy changes nothing except your own understanding.
"""

import jax, jax.numpy as jnp
import numpy as np

VOCAB = 1000000
EMBED_DIM = 64
BATCH = 4096
HIST = 50

def setup_inputs(seed: int = 0) -> dict:
    key = jax.random.key(seed)
    k1, k2, k3, k4 = jax.random.split(key, 4)
    x = jax.random.randint(k1, (BATCH, HIST), 0, VOCAB, dtype=jnp.int64 if jax.config.jax_enable_x64 else jnp.int32)
    table = jax.random.normal(k2, (VOCAB, EMBED_DIM), dtype=jnp.float32) * 0.02
    W = jax.random.normal(k3, (EMBED_DIM, EMBED_DIM), dtype=jnp.float32) * (1.0 / np.sqrt(EMBED_DIM))
    b = jax.random.normal(k4, (EMBED_DIM,), dtype=jnp.float32) * 0.01
    return {"x": x, "table": table, "W": W, "b": b}

def reference(x, table, W, b):
    # embedding lookup: gather rows from table
    embedded = jnp.take(table, x, axis=0)          # [B, L, D]
    pooled = jnp.mean(embedded, axis=1)            # [B, D]
    transformed = pooled @ W.T + b                 # [B, D] (nn.Linear: x @ W^T + b)
    return transformed

if __name__ == "__main__":
    import jax
    _d = setup_inputs()
    print(jax.jit(kernel)(*tuple(_d.values())))

</pallas_src>

<mosaic_0001>
#map = affine_map<(d0, d1) -> (0, 0)>
module attributes {stable_mosaic.version = 14 : i64} {
  func.func @_pool(%arg0: i32, %arg1: i32, %arg2: memref<50x4096xi32, #tpu.memory_space<hbm>>, %arg3: memref<500000x128xf32, #tpu.memory_space<hbm>>, %arg4: memref<4096x128xf32, #tpu.memory_space<hbm>>, %arg5: memref<4096x128xf32, #tpu.memory_space<hbm>>, %arg6: memref<50x128xi32, #tpu.memory_space<vmem>>, %arg7: memref<50x128xi32, #tpu.memory_space<vmem>>, %arg8: memref<50x128xi32, #tpu.memory_space<vmem>>, %arg9: memref<128x128xf32, #tpu.memory_space<vmem>>, %arg10: memref<128x128xf32, #tpu.memory_space<vmem>>, %arg11: memref<!tpu.dma_semaphore, #tpu.memory_space<semaphore_mem>>, %arg12: memref<!tpu.dma_semaphore, #tpu.memory_space<semaphore_mem>>) attributes {dimension_semantics = [#tpu.dimension_semantics<core_parallel>, #tpu.dimension_semantics<subcore_parallel>], iteration_bounds = array<i64: 2, 16>, scalar_prefetch = 0 : i64, scratch_operands = 7 : i64, tpu.core_type = #tpu.core_type<sc_vector_subcore>, window_params = [{transform_indices = #map}, {transform_indices = #map}, {transform_indices = #map}, {transform_indices = #map}]} {
    %mul3A = arith.constant 2 : i32
    %mul3A_0 = arith.muli %arg1, %mul3A : i32
    %add3A = arith.addi %mul3A_0, %arg0 : i32
    %mul3A_1 = arith.constant 128 : i32
    %mul3A_2 = arith.muli %add3A, %mul3A_1 : i32
    %dma_start3A = arith.constant 0 : i32
    %dma_start3A_3 = tpu.memref_slice %arg2[%dma_start3A, %mul3A_2] : memref<50x4096xi32, #tpu.memory_space<hbm>> -> memref<50x128xi32, #tpu.memory_space<hbm>>
    %dma_start3A_4 = arith.constant 0 : i32
    %dma_start3A_5 = tpu.memref_slice %arg2[%dma_start3A_4, %mul3A_2] : memref<50x4096xi32, #tpu.memory_space<hbm>> -> memref<50x128xi32, #tpu.memory_space<hbm>>
    tpu.enqueue_dma source(%dma_start3A_5 : memref<50x128xi32, #tpu.memory_space<hbm>>) target(%arg6 : memref<50x128xi32, #tpu.memory_space<vmem>>) target_semaphore(%arg11 : memref<!tpu.dma_semaphore, #tpu.memory_space<semaphore_mem>>)
    %broadcast_in_dim3A = arith.constant 0.000000e+00 : f32
    %broadcast_in_dim3A_6 = vector.broadcast %broadcast_in_dim3A : f32 to vector<16xf32>
    %scan3A = arith.constant 0 : i32
    %scan3A_7 = arith.constant 0 : i32
    %scan3A_8 = arith.constant 128 : i32
    %scan3A_9 = arith.addi %scan3A_7, %scan3A_8 : i32
    %scan3A_10 = arith.constant 1 : i32
    scf.for %scan3A_33 = %scan3A_7 to %scan3A_9 step %scan3A_10  : i32 {
      %swap3A = arith.index_cast %scan3A_33 : i32 to index
      %swap3A_34 = arith.constant 0 : index
      %swap3A_35 = tpu.vector_load %arg9[%swap3A, %swap3A_34] {strides = array<i32>} : memref<128x128xf32, #tpu.memory_space<vmem>>, vector<1x16xf32>,
      %swap3A_36 = vector.shape_cast %swap3A_35 : vector<1x16xf32> to vector<16xf32>
      %swap3A_37 = vector.shape_cast %broadcast_in_dim3A_6 : vector<16xf32> to vector<1x16xf32>
      tpu.vector_store %arg9[%swap3A, %swap3A_34], %swap3A_37 {strides = array<i32>} : memref<128x128xf32, #tpu.memory_space<vmem>>, vector<1x16xf32>,
      %swap3A_38 = arith.index_cast %scan3A_33 : i32 to index
      %swap3A_39 = arith.constant 0 : index
      %swap3A_40 = tpu.vector_load %arg10[%swap3A_38, %swap3A_39] {strides = array<i32>} : memref<128x128xf32, #tpu.memory_space<vmem>>, vector<1x16xf32>,
      %swap3A_41 = vector.shape_cast %swap3A_40 : vector<1x16xf32> to vector<16xf32>
      %swap3A_42 = vector.shape_cast %broadcast_in_dim3A_6 : vector<16xf32> to vector<1x16xf32>
      tpu.vector_store %arg10[%swap3A_38, %swap3A_39], %swap3A_42 {strides = array<i32>} : memref<128x128xf32, #tpu.memory_space<vmem>>, vector<1x16xf32>,
      %swap3A_43 = arith.index_cast %scan3A_33 : i32 to index
      %swap3A_44 = arith.constant 16 : index
      %swap3A_45 = tpu.vector_load %arg9[%swap3A_43, %swap3A_44] {strides = array<i32>} : memref<128x128xf32, #tpu.memory_space<vmem>>, vector<1x16xf32>,
      %swap3A_46 = vector.shape_cast %swap3A_45 : vector<1x16xf32> to vector<16xf32>
      %swap3A_47 = vector.shape_cast %broadcast_in_dim3A_6 : vector<16xf32> to vector<1x16xf32>
      tpu.vector_store %arg9[%swap3A_43, %swap3A_44], %swap3A_47 {strides = array<i32>} : memref<128x128xf32, #tpu.memory_space<vmem>>, vector<1x16xf32>,
      %swap3A_48 = arith.index_cast %scan3A_33 : i32 to index
      %swap3A_49 = arith.constant 16 : index
      %swap3A_50 = tpu.vector_load %arg10[%swap3A_48, %swap3A_49] {strides = array<i32>} : memref<128x128xf32, #tpu.memory_space<vmem>>, vector<1x16xf32>,
      %swap3A_51 = vector.shape_cast %swap3A_50 : vector<1x16xf32> to vector<16xf32>
      %swap3A_52 = vector.shape_cast %broadcast_in_dim3A_6 : vector<16xf32> to vector<1x16xf32>
      tpu.vector_store %arg10[%swap3A_48, %swap3A_49], %swap3A_52 {strides = array<i32>} : memref<128x128xf32, #tpu.memory_space<vmem>>, vector<1x16xf32>,
      %swap3A_53 = arith.index_cast %scan3A_33 : i32 to index
      %swap3A_54 = arith.constant 32 : index
      %swap3A_55 = tpu.vector_load %arg9[%swap3A_53, %swap3A_54] {strides = array<i32>} : memref<128x128xf32, #tpu.memory_space<vmem>>, vector<1x16xf32>,
      %swap3A_56 = vector.shape_cast %swap3A_55 : vector<1x16xf32> to vector<16xf32>
      %swap3A_57 = vector.shape_cast %broadcast_in_dim3A_6 : vector<16xf32> to vector<1x16xf32>
      tpu.vector_store %arg9[%swap3A_53, %swap3A_54], %swap3A_57 {strides = array<i32>} : memref<128x128xf32, #tpu.memory_space<vmem>>, vector<1x16xf32>,
      %swap3A_58 = arith.index_cast %scan3A_33 : i32 to index
      %swap3A_59 = arith.constant 32 : index
      %swap3A_60 = tpu.vector_load %arg10[%swap3A_58, %swap3A_59] {strides = array<i32>} : memref<128x128xf32, #tpu.memory_space<vmem>>, vector<1x16xf32>,
      %swap3A_61 = vector.shape_cast %swap3A_60 : vector<1x16xf32> to vector<16xf32>
      %swap3A_62 = vector.shape_cast %broadcast_in_dim3A_6 : vector<16xf32> to vector<1x16xf32>
      tpu.vector_store %arg10[%swap3A_58, %swap3A_59], %swap3A_62 {strides = array<i32>} : memref<128x128xf32, #tpu.memory_space<vmem>>, vector<1x16xf32>,
      %swap3A_63 = arith.index_cast %scan3A_33 : i32 to index
      %swap3A_64 = arith.constant 48 : index
      %swap3A_65 = tpu.vector_load %arg9[%swap3A_63, %swap3A_64] {strides = array<i32>} : memref<128x128xf32, #tpu.memory_space<vmem>>, vector<1x16xf32>,
      %swap3A_66 = vector.shape_cast %swap3A_65 : vector<1x16xf32> to vector<16xf32>
      %swap3A_67 = vector.shape_cast %broadcast_in_dim3A_6 : vector<16xf32> to vector<1x16xf32>
      tpu.vector_store %arg9[%swap3A_63, %swap3A_64], %swap3A_67 {strides = array<i32>} : memref<128x128xf32, #tpu.memory_space<vmem>>, vector<1x16xf32>,
      %swap3A_68 = arith.index_cast %scan3A_33 : i32 to index
      %swap3A_69 = arith.constant 48 : index
      %swap3A_70 = tpu.vector_load %arg10[%swap3A_68, %swap3A_69] {strides = array<i32>} : memref<128x128xf32, #tpu.memory_space<vmem>>, vector<1x16xf32>,
      %swap3A_71 = vector.shape_cast %swap3A_70 : vector<1x16xf32> to vector<16xf32>
      %swap3A_72 = vector.shape_cast %broadcast_in_dim3A_6 : vector<16xf32> to vector<1x16xf32>
      tpu.vector_store %arg10[%swap3A_68, %swap3A_69], %swap3A_72 {strides = array<i32>} : memref<128x128xf32, #tpu.memory_space<vmem>>, vector<1x16xf32>,
      %swap3A_73 = arith.index_cast %scan3A_33 : i32 to index
      %swap3A_74 = arith.constant 64 : index
      %swap3A_75 = tpu.vector_load %arg9[%swap3A_73, %swap3A_74] {strides = array<i32>} : memref<128x128xf32, #tpu.memory_space<vmem>>, vector<1x16xf32>,
      %swap3A_76 = vector.shape_cast %swap3A_75 : vector<1x16xf32> to vector<16xf32>
      %swap3A_77 = vector.shape_cast %broadcast_in_dim3A_6 : vector<16xf32> to vector<1x16xf32>
      tpu.vector_store %arg9[%swap3A_73, %swap3A_74], %swap3A_77 {strides = array<i32>} : memref<128x128xf32, #tpu.memory_space<vmem>>, vector<1x16xf32>,
      %swap3A_78 = arith.index_cast %scan3A_33 : i32 to index
      %swap3A_79 = arith.constant 64 : index
      %swap3A_80 = tpu.vector_load %arg10[%swap3A_78, %swap3A_79] {strides = array<i32>} : memref<128x128xf32, #tpu.memory_space<vmem>>, vector<1x16xf32>,
      %swap3A_81 = vector.shape_cast %swap3A_80 : vector<1x16xf32> to vector<16xf32>
      %swap3A_82 = vector.shape_cast %broadcast_in_dim3A_6 : vector<16xf32> to vector<1x16xf32>
      tpu.vector_store %arg10[%swap3A_78, %swap3A_79], %swap3A_82 {strides = array<i32>} : memref<128x128xf32, #tpu.memory_space<vmem>>, vector<1x16xf32>,
      %swap3A_83 = arith.index_cast %scan3A_33 : i32 to index
      %swap3A_84 = arith.constant 80 : index
      %swap3A_85 = tpu.vector_load %arg9[%swap3A_83, %swap3A_84] {strides = array<i32>} : memref<128x128xf32, #tpu.memory_space<vmem>>, vector<1x16xf32>,
      %swap3A_86 = vector.shape_cast %swap3A_85 : vector<1x16xf32> to vector<16xf32>
      %swap3A_87 = vector.shape_cast %broadcast_in_dim3A_6 : vector<16xf32> to vector<1x16xf32>
      tpu.vector_store %arg9[%swap3A_83, %swap3A_84], %swap3A_87 {strides = array<i32>} : memref<128x128xf32, #tpu.memory_space<vmem>>, vector<1x16xf32>,
      %swap3A_88 = arith.index_cast %scan3A_33 : i32 to index
      %swap3A_89 = arith.constant 80 : index
      %swap3A_90 = tpu.vector_load %arg10[%swap3A_88, %swap3A_89] {strides = array<i32>} : memref<128x128xf32, #tpu.memory_space<vmem>>, vector<1x16xf32>,
      %swap3A_91 = vector.shape_cast %swap3A_90 : vector<1x16xf32> to vector<16xf32>
      %swap3A_92 = vector.shape_cast %broadcast_in_dim3A_6 : vector<16xf32> to vector<1x16xf32>
      tpu.vector_store %arg10[%swap3A_88, %swap3A_89], %swap3A_92 {strides = array<i32>} : memref<128x128xf32, #tpu.memory_space<vmem>>, vector<1x16xf32>,
      %swap3A_93 = arith.index_cast %scan3A_33 : i32 to index
      %swap3A_94 = arith.constant 96 : index
      %swap3A_95 = tpu.vector_load %arg9[%swap3A_93, %swap3A_94] {strides = array<i32>} : memref<128x128xf32, #tpu.memory_space<vmem>>, vector<1x16xf32>,
      %swap3A_96 = vector.shape_cast %swap3A_95 : vector<1x16xf32> to vector<16xf32>
      %swap3A_97 = vector.shape_cast %broadcast_in_dim3A_6 : vector<16xf32> to vector<1x16xf32>
      tpu.vector_store %arg9[%swap3A_93, %swap3A_94], %swap3A_97 {strides = array<i32>} : memref<128x128xf32, #tpu.memory_space<vmem>>, vector<1x16xf32>,
      %swap3A_98 = arith.index_cast %scan3A_33 : i32 to index
      %swap3A_99 = arith.constant 96 : index
      %swap3A_100 = tpu.vector_load %arg10[%swap3A_98, %swap3A_99] {strides = array<i32>} : memref<128x128xf32, #tpu.memory_space<vmem>>, vector<1x16xf32>,
      %swap3A_101 = vector.shape_cast %swap3A_100 : vector<1x16xf32> to vector<16xf32>
      %swap3A_102 = vector.shape_cast %broadcast_in_dim3A_6 : vector<16xf32> to vector<1x16xf32>
      tpu.vector_store %arg10[%swap3A_98, %swap3A_99], %swap3A_102 {strides = array<i32>} : memref<128x128xf32, #tpu.memory_space<vmem>>, vector<1x16xf32>,
      %swap3A_103 = arith.index_cast %scan3A_33 : i32 to index
      %swap3A_104 = arith.constant 112 : index
      %swap3A_105 = tpu.vector_load %arg9[%swap3A_103, %swap3A_104] {strides = array<i32>} : memref<128x128xf32, #tpu.memory_space<vmem>>, vector<1x16xf32>,
      %swap3A_106 = vector.shape_cast %swap3A_105 : vector<1x16xf32> to vector<16xf32>
      %swap3A_107 = vector.shape_cast %broadcast_in_dim3A_6 : vector<16xf32> to vector<1x16xf32>
      tpu.vector_store %arg9[%swap3A_103, %swap3A_104], %swap3A_107 {strides = array<i32>} : memref<128x128xf32, #tpu.memory_space<vmem>>, vector<1x16xf32>,
      %swap3A_108 = arith.index_cast %scan3A_33 : i32 to index
      %swap3A_109 = arith.constant 112 : index
      %swap3A_110 = tpu.vector_load %arg10[%swap3A_108, %swap3A_109] {strides = array<i32>} : memref<128x128xf32, #tpu.memory_space<vmem>>, vector<1x16xf32>,
      %swap3A_111 = vector.shape_cast %swap3A_110 : vector<1x16xf32> to vector<16xf32>
      %swap3A_112 = vector.shape_cast %broadcast_in_dim3A_6 : vector<16xf32> to vector<1x16xf32>
      tpu.vector_store %arg10[%swap3A_108, %swap3A_109], %swap3A_112 {strides = array<i32>} : memref<128x128xf32, #tpu.memory_space<vmem>>, vector<1x16xf32>,
    }
    %scan3A_11 = arith.constant 128 : i32
    %dma_wait3A = arith.constant 0 : i32
    %dma_wait3A_12 = tpu.memref_slice %arg2[%dma_wait3A, %mul3A_2] : memref<50x4096xi32, #tpu.memory_space<hbm>> -> memref<50x128xi32, #tpu.memory_space<hbm>>
    %dma_wait3A_13 = arith.constant 0 : i32
    %dma_wait3A_14 = tpu.memref_slice %arg2[%dma_wait3A_13, %mul3A_2] : memref<50x4096xi32, #tpu.memory_space<hbm>> -> memref<50x128xi32, #tpu.memory_space<hbm>>
    tpu.wait_dma2 semaphore(%arg11 : memref<!tpu.dma_semaphore, #tpu.memory_space<semaphore_mem>>) src(%dma_wait3A_14 : memref<50x128xi32, #tpu.memory_space<hbm>>) dst(%arg6 : memref<50x128xi32, #tpu.memory_space<vmem>>)
    %scan3A_15 = arith.constant 0 : i32
    %scan3A_16 = arith.constant 0 : i32
    %scan3A_17 = arith.constant 50 : i32
    %scan3A_18 = arith.addi %scan3A_16, %scan3A_17 : i32
    %scan3A_19 = arith.constant 1 : i32
    scf.for %scan3A_33 = %scan3A_16 to %scan3A_18 step %scan3A_19  : i32 {
      %get3A = arith.index_cast %scan3A_33 : i32 to index
      %get3A_34 = arith.constant 0 : index
      %get3A_35 = tpu.vector_load %arg6[%get3A, %get3A_34] {strides = array<i32>} : memref<50x128xi32, #tpu.memory_space<vmem>>, vector<1x16xi32>,
      %get3A_36 = vector.shape_cast %get3A_35 : vector<1x16xi32> to vector<16xi32>
      %and3A = arith.constant 1 : i32
      %and3A_37 = vector.broadcast %and3A : i32 to vector<16xi32>
      %and3A_38 = arith.andi %get3A_36, %and3A_37 : vector<16xi32>
      %shift_right_logical3A = arith.constant 1 : i32
      %shift_right_logical3A_39 = vector.broadcast %shift_right_logical3A : i32 to vector<16xi32>
      %shift_right_logical3A_40 = arith.shrui %get3A_36, %shift_right_logical3A_39 : vector<16xi32>
      %sub3A = arith.constant 1 : i32
      %sub3A_41 = vector.broadcast %sub3A : i32 to vector<16xi32>
      %sub3A_42 = arith.subi %sub3A_41, %and3A_38 : vector<16xi32>
      %mul3A_43 = arith.muli %shift_right_logical3A_40, %sub3A_42 : vector<16xi32>
      %swap3A = arith.index_cast %scan3A_33 : i32 to index
      %swap3A_44 = arith.constant 0 : index
      %swap3A_45 = tpu.vector_load %arg7[%swap3A, %swap3A_44] {strides = array<i32>} : memref<50x128xi32, #tpu.memory_space<vmem>>, vector<1x16xi32>,
      %swap3A_46 = vector.shape_cast %swap3A_45 : vector<1x16xi32> to vector<16xi32>
      %swap3A_47 = vector.shape_cast %mul3A_43 : vector<16xi32> to vector<1x16xi32>
      tpu.vector_store %arg7[%swap3A, %swap3A_44], %swap3A_47 {strides = array<i32>} : memref<50x128xi32, #tpu.memory_space<vmem>>, vector<1x16xi32>,
      %mul3A_48 = arith.muli %shift_right_logical3A_40, %and3A_38 : vector<16xi32>
      %swap3A_49 = arith.index_cast %scan3A_33 : i32 to index
      %swap3A_50 = arith.constant 0 : index
      %swap3A_51 = tpu.vector_load %arg8[%swap3A_49, %swap3A_50] {strides = array<i32>} : memref<50x128xi32, #tpu.memory_space<vmem>>, vector<1x16xi32>,
      %swap3A_52 = vector.shape_cast %swap3A_51 : vector<1x16xi32> to vector<16xi32>
      %swap3A_53 = vector.shape_cast %mul3A_48 : vector<16xi32> to vector<1x16xi32>
      tpu.vector_store %arg8[%swap3A_49, %swap3A_50], %swap3A_53 {strides = array<i32>} : memref<50x128xi32, #tpu.memory_space<vmem>>, vector<1x16xi32>,
      %get3A_54 = arith.index_cast %scan3A_33 : i32 to index
      %get3A_55 = arith.constant 16 : index
      %get3A_56 = tpu.vector_load %arg6[%get3A_54, %get3A_55] {strides = array<i32>} : memref<50x128xi32, #tpu.memory_space<vmem>>, vector<1x16xi32>,
      %get3A_57 = vector.shape_cast %get3A_56 : vector<1x16xi32> to vector<16xi32>
      %and3A_58 = arith.constant 1 : i32
      %and3A_59 = vector.broadcast %and3A_58 : i32 to vector<16xi32>
      %and3A_60 = arith.andi %get3A_57, %and3A_59 : vector<16xi32>
      %shift_right_logical3A_61 = arith.constant 1 : i32
      %shift_right_logical3A_62 = vector.broadcast %shift_right_logical3A_61 : i32 to vector<16xi32>
      %shift_right_logical3A_63 = arith.shrui %get3A_57, %shift_right_logical3A_62 : vector<16xi32>
      %sub3A_64 = arith.constant 1 : i32
      %sub3A_65 = vector.broadcast %sub3A_64 : i32 to vector<16xi32>
      %sub3A_66 = arith.subi %sub3A_65, %and3A_60 : vector<16xi32>
      %mul3A_67 = arith.muli %shift_right_logical3A_63, %sub3A_66 : vector<16xi32>
      %swap3A_68 = arith.index_cast %scan3A_33 : i32 to index
      %swap3A_69 = arith.constant 16 : index
      %swap3A_70 = tpu.vector_load %arg7[%swap3A_68, %swap3A_69] {strides = array<i32>} : memref<50x128xi32, #tpu.memory_space<vmem>>, vector<1x16xi32>,
      %swap3A_71 = vector.shape_cast %swap3A_70 : vector<1x16xi32> to vector<16xi32>
      %swap3A_72 = vector.shape_cast %mul3A_67 : vector<16xi32> to vector<1x16xi32>
      tpu.vector_store %arg7[%swap3A_68, %swap3A_69], %swap3A_72 {strides = array<i32>} : memref<50x128xi32, #tpu.memory_space<vmem>>, vector<1x16xi32>,
      %mul3A_73 = arith.muli %shift_right_logical3A_63, %and3A_60 : vector<16xi32>
      %swap3A_74 = arith.index_cast %scan3A_33 : i32 to index
      %swap3A_75 = arith.constant 16 : index
      %swap3A_76 = tpu.vector_load %arg8[%swap3A_74, %swap3A_75] {strides = array<i32>} : memref<50x128xi32, #tpu.memory_space<vmem>>, vector<1x16xi32>,
      %swap3A_77 = vector.shape_cast %swap3A_76 : vector<1x16xi32> to vector<16xi32>
      %swap3A_78 = vector.shape_cast %mul3A_73 : vector<16xi32> to vector<1x16xi32>
      tpu.vector_store %arg8[%swap3A_74, %swap3A_75], %swap3A_78 {strides = array<i32>} : memref<50x128xi32, #tpu.memory_space<vmem>>, vector<1x16xi32>,
      %get3A_79 = arith.index_cast %scan3A_33 : i32 to index
      %get3A_80 = arith.constant 32 : index
      %get3A_81 = tpu.vector_load %arg6[%get3A_79, %get3A_80] {strides = array<i32>} : memref<50x128xi32, #tpu.memory_space<vmem>>, vector<1x16xi32>,
      %get3A_82 = vector.shape_cast %get3A_81 : vector<1x16xi32> to vector<16xi32>
      %and3A_83 = arith.constant 1 : i32
      %and3A_84 = vector.broadcast %and3A_83 : i32 to vector<16xi32>
      %and3A_85 = arith.andi %get3A_82, %and3A_84 : vector<16xi32>
      %shift_right_logical3A_86 = arith.constant 1 : i32
      %shift_right_logical3A_87 = vector.broadcast %shift_right_logical3A_86 : i32 to vector<16xi32>
      %shift_right_logical3A_88 = arith.shrui %get3A_82, %shift_right_logical3A_87 : vector<16xi32>
      %sub3A_89 = arith.constant 1 : i32
      %sub3A_90 = vector.broadcast %sub3A_89 : i32 to vector<16xi32>
      %sub3A_91 = arith.subi %sub3A_90, %and3A_85 : vector<16xi32>
      %mul3A_92 = arith.muli %shift_right_logical3A_88, %sub3A_91 : vector<16xi32>
      %swap3A_93 = arith.index_cast %scan3A_33 : i32 to index
      %swap3A_94 = arith.constant 32 : index
      %swap3A_95 = tpu.vector_load %arg7[%swap3A_93, %swap3A_94] {strides = array<i32>} : memref<50x128xi32, #tpu.memory_space<vmem>>, vector<1x16xi32>,
      %swap3A_96 = vector.shape_cast %swap3A_95 : vector<1x16xi32> to vector<16xi32>
      %swap3A_97 = vector.shape_cast %mul3A_92 : vector<16xi32> to vector<1x16xi32>
      tpu.vector_store %arg7[%swap3A_93, %swap3A_94], %swap3A_97 {strides = array<i32>} : memref<50x128xi32, #tpu.memory_space<vmem>>, vector<1x16xi32>,
      %mul3A_98 = arith.muli %shift_right_logical3A_88, %and3A_85 : vector<16xi32>
      %swap3A_99 = arith.index_cast %scan3A_33 : i32 to index
      %swap3A_100 = arith.constant 32 : index
      %swap3A_101 = tpu.vector_load %arg8[%swap3A_99, %swap3A_100] {strides = array<i32>} : memref<50x128xi32, #tpu.memory_space<vmem>>, vector<1x16xi32>,
      %swap3A_102 = vector.shape_cast %swap3A_101 : vector<1x16xi32> to vector<16xi32>
      %swap3A_103 = vector.shape_cast %mul3A_98 : vector<16xi32> to vector<1x16xi32>
      tpu.vector_store %arg8[%swap3A_99, %swap3A_100], %swap3A_103 {strides = array<i32>} : memref<50x128xi32, #tpu.memory_space<vmem>>, vector<1x16xi32>,
      %get3A_104 = arith.index_cast %scan3A_33 : i32 to index
      %get3A_105 = arith.constant 48 : index
      %get3A_106 = tpu.vector_load %arg6[%get3A_104, %get3A_105] {strides = array<i32>} : memref<50x128xi32, #tpu.memory_space<vmem>>, vector<1x16xi32>,
      %get3A_107 = vector.shape_cast %get3A_106 : vector<1x16xi32> to vector<16xi32>
      %and3A_108 = arith.constant 1 : i32
      %and3A_109 = vector.broadcast %and3A_108 : i32 to vector<16xi32>
      %and3A_110 = arith.andi %get3A_107, %and3A_109 : vector<16xi32>
      %shift_right_logical3A_111 = arith.constant 1 : i32
      %shift_right_logical3A_112 = vector.broadcast %shift_right_logical3A_111 : i32 to vector<16xi32>
      %shift_right_logical3A_113 = arith.shrui %get3A_107, %shift_right_logical3A_112 : vector<16xi32>
      %sub3A_114 = arith.constant 1 : i32
      %sub3A_115 = vector.broadcast %sub3A_114 : i32 to vector<16xi32>
      %sub3A_116 = arith.subi %sub3A_115, %and3A_110 : vector<16xi32>
      %mul3A_117 = arith.muli %shift_right_logical3A_113, %sub3A_116 : vector<16xi32>
      %swap3A_118 = arith.index_cast %scan3A_33 : i32 to index
      %swap3A_119 = arith.constant 48 : index
      %swap3A_120 = tpu.vector_load %arg7[%swap3A_118, %swap3A_119] {strides = array<i32>} : memref<50x128xi32, #tpu.memory_space<vmem>>, vector<1x16xi32>,
      %swap3A_121 = vector.shape_cast %swap3A_120 : vector<1x16xi32> to vector<16xi32>
      %swap3A_122 = vector.shape_cast %mul3A_117 : vector<16xi32> to vector<1x16xi32>
      tpu.vector_store %arg7[%swap3A_118, %swap3A_119], %swap3A_122 {strides = array<i32>} : memref<50x128xi32, #tpu.memory_space<vmem>>, vector<1x16xi32>,
      %mul3A_123 = arith.muli %shift_right_logical3A_113, %and3A_110 : vector<16xi32>
      %swap3A_124 = arith.index_cast %scan3A_33 : i32 to index
      %swap3A_125 = arith.constant 48 : index
      %swap3A_126 = tpu.vector_load %arg8[%swap3A_124, %swap3A_125] {strides = array<i32>} : memref<50x128xi32, #tpu.memory_space<vmem>>, vector<1x16xi32>,
      %swap3A_127 = vector.shape_cast %swap3A_126 : vector<1x16xi32> to vector<16xi32>
      %swap3A_128 = vector.shape_cast %mul3A_123 : vector<16xi32> to vector<1x16xi32>
      tpu.vector_store %arg8[%swap3A_124, %swap3A_125], %swap3A_128 {strides = array<i32>} : memref<50x128xi32, #tpu.memory_space<vmem>>, vector<1x16xi32>,
      %get3A_129 = arith.index_cast %scan3A_33 : i32 to index
      %get3A_130 = arith.constant 64 : index
      %get3A_131 = tpu.vector_load %arg6[%get3A_129, %get3A_130] {strides = array<i32>} : memref<50x128xi32, #tpu.memory_space<vmem>>, vector<1x16xi32>,
      %get3A_132 = vector.shape_cast %get3A_131 : vector<1x16xi32> to vector<16xi32>
      %and3A_133 = arith.constant 1 : i32
      %and3A_134 = vector.broadcast %and3A_133 : i32 to vector<16xi32>
      %and3A_135 = arith.andi %get3A_132, %and3A_134 : vector<16xi32>
      %shift_right_logical3A_136 = arith.constant 1 : i32
      %shift_right_logical3A_137 = vector.broadcast %shift_right_logical3A_136 : i32 to vector<16xi32>
      %shift_right_logical3A_138 = arith.shrui %get3A_132, %shift_right_logical3A_137 : vector<16xi32>
      %sub3A_139 = arith.constant 1 : i32
      %sub3A_140 = vector.broadcast %sub3A_139 : i32 to vector<16xi32>
      %sub3A_141 = arith.subi %sub3A_140, %and3A_135 : vector<16xi32>
      %mul3A_142 = arith.muli %shift_right_logical3A_138, %sub3A_141 : vector<16xi32>
      %swap3A_143 = arith.index_cast %scan3A_33 : i32 to index
      %swap3A_144 = arith.constant 64 : index
      %swap3A_145 = tpu.vector_load %arg7[%swap3A_143, %swap3A_144] {strides = array<i32>} : memref<50x128xi32, #tpu.memory_space<vmem>>, vector<1x16xi32>,
      %swap3A_146 = vector.shape_cast %swap3A_145 : vector<1x16xi32> to vector<16xi32>
      %swap3A_147 = vector.shape_cast %mul3A_142 : vector<16xi32> to vector<1x16xi32>
      tpu.vector_store %arg7[%swap3A_143, %swap3A_144], %swap3A_147 {strides = array<i32>} : memref<50x128xi32, #tpu.memory_space<vmem>>, vector<1x16xi32>,
      %mul3A_148 = arith.muli %shift_right_logical3A_138, %and3A_135 : vector<16xi32>
      %swap3A_149 = arith.index_cast %scan3A_33 : i32 to index
      %swap3A_150 = arith.constant 64 : index
      %swap3A_151 = tpu.vector_load %arg8[%swap3A_149, %swap3A_150] {strides = array<i32>} : memref<50x128xi32, #tpu.memory_space<vmem>>, vector<1x16xi32>,
      %swap3A_152 = vector.shape_cast %swap3A_151 : vector<1x16xi32> to vector<16xi32>
      %swap3A_153 = vector.shape_cast %mul3A_148 : vector<16xi32> to vector<1x16xi32>
      tpu.vector_store %arg8[%swap3A_149, %swap3A_150], %swap3A_153 {strides = array<i32>} : memref<50x128xi32, #tpu.memory_space<vmem>>, vector<1x16xi32>,
      %get3A_154 = arith.index_cast %scan3A_33 : i32 to index
      %get3A_155 = arith.constant 80 : index
      %get3A_156 = tpu.vector_load %arg6[%get3A_154, %get3A_155] {strides = array<i32>} : memref<50x128xi32, #tpu.memory_space<vmem>>, vector<1x16xi32>,
      %get3A_157 = vector.shape_cast %get3A_156 : vector<1x16xi32> to vector<16xi32>
      %and3A_158 = arith.constant 1 : i32
      %and3A_159 = vector.broadcast %and3A_158 : i32 to vector<16xi32>
      %and3A_160 = arith.andi %get3A_157, %and3A_159 : vector<16xi32>
      %shift_right_logical3A_161 = arith.constant 1 : i32
      %shift_right_logical3A_162 = vector.broadcast %shift_right_logical3A_161 : i32 to vector<16xi32>
      %shift_right_logical3A_163 = arith.shrui %get3A_157, %shift_right_logical3A_162 : vector<16xi32>
      %sub3A_164 = arith.constant 1 : i32
      %sub3A_165 = vector.broadcast %sub3A_164 : i32 to vector<16xi32>
      %sub3A_166 = arith.subi %sub3A_165, %and3A_160 : vector<16xi32>
      %mul3A_167 = arith.muli %shift_right_logical3A_163, %sub3A_166 : vector<16xi32>
      %swap3A_168 = arith.index_cast %scan3A_33 : i32 to index
      %swap3A_169 = arith.constant 80 : index
      %swap3A_170 = tpu.vector_load %arg7[%swap3A_168, %swap3A_169] {strides = array<i32>} : memref<50x128xi32, #tpu.memory_space<vmem>>, vector<1x16xi32>,
      %swap3A_171 = vector.shape_cast %swap3A_170 : vector<1x16xi32> to vector<16xi32>
      %swap3A_172 = vector.shape_cast %mul3A_167 : vector<16xi32> to vector<1x16xi32>
      tpu.vector_store %arg7[%swap3A_168, %swap3A_169], %swap3A_172 {strides = array<i32>} : memref<50x128xi32, #tpu.memory_space<vmem>>, vector<1x16xi32>,
      %mul3A_173 = arith.muli %shift_right_logical3A_163, %and3A_160 : vector<16xi32>
      %swap3A_174 = arith.index_cast %scan3A_33 : i32 to index
      %swap3A_175 = arith.constant 80 : index
      %swap3A_176 = tpu.vector_load %arg8[%swap3A_174, %swap3A_175] {strides = array<i32>} : memref<50x128xi32, #tpu.memory_space<vmem>>, vector<1x16xi32>,
      %swap3A_177 = vector.shape_cast %swap3A_176 : vector<1x16xi32> to vector<16xi32>
      %swap3A_178 = vector.shape_cast %mul3A_173 : vector<16xi32> to vector<1x16xi32>
      tpu.vector_store %arg8[%swap3A_174, %swap3A_175], %swap3A_178 {strides = array<i32>} : memref<50x128xi32, #tpu.memory_space<vmem>>, vector<1x16xi32>,
      %get3A_179 = arith.index_cast %scan3A_33 : i32 to index
      %get3A_180 = arith.constant 96 : index
      %get3A_181 = tpu.vector_load %arg6[%get3A_179, %get3A_180] {strides = array<i32>} : memref<50x128xi32, #tpu.memory_space<vmem>>, vector<1x16xi32>,
      %get3A_182 = vector.shape_cast %get3A_181 : vector<1x16xi32> to vector<16xi32>
      %and3A_183 = arith.constant 1 : i32
      %and3A_184 = vector.broadcast %and3A_183 : i32 to vector<16xi32>
      %and3A_185 = arith.andi %get3A_182, %and3A_184 : vector<16xi32>
      %shift_right_logical3A_186 = arith.constant 1 : i32
      %shift_right_logical3A_187 = vector.broadcast %shift_right_logical3A_186 : i32 to vector<16xi32>
      %shift_right_logical3A_188 = arith.shrui %get3A_182, %shift_right_logical3A_187 : vector<16xi32>
      %sub3A_189 = arith.constant 1 : i32
      %sub3A_190 = vector.broadcast %sub3A_189 : i32 to vector<16xi32>
      %sub3A_191 = arith.subi %sub3A_190, %and3A_185 : vector<16xi32>
      %mul3A_192 = arith.muli %shift_right_logical3A_188, %sub3A_191 : vector<16xi32>
      %swap3A_193 = arith.index_cast %scan3A_33 : i32 to index
      %swap3A_194 = arith.constant 96 : index
      %swap3A_195 = tpu.vector_load %arg7[%swap3A_193, %swap3A_194] {strides = array<i32>} : memref<50x128xi32, #tpu.memory_space<vmem>>, vector<1x16xi32>,
      %swap3A_196 = vector.shape_cast %swap3A_195 : vector<1x16xi32> to vector<16xi32>
      %swap3A_197 = vector.shape_cast %mul3A_192 : vector<16xi32> to vector<1x16xi32>
      tpu.vector_store %arg7[%swap3A_193, %swap3A_194], %swap3A_197 {strides = array<i32>} : memref<50x128xi32, #tpu.memory_space<vmem>>, vector<1x16xi32>,
      %mul3A_198 = arith.muli %shift_right_logical3A_188, %and3A_185 : vector<16xi32>
      %swap3A_199 = arith.index_cast %scan3A_33 : i32 to index
      %swap3A_200 = arith.constant 96 : index
      %swap3A_201 = tpu.vector_load %arg8[%swap3A_199, %swap3A_200] {strides = array<i32>} : memref<50x128xi32, #tpu.memory_space<vmem>>, vector<1x16xi32>,
      %swap3A_202 = vector.shape_cast %swap3A_201 : vector<1x16xi32> to vector<16xi32>
      %swap3A_203 = vector.shape_cast %mul3A_198 : vector<16xi32> to vector<1x16xi32>
      tpu.vector_store %arg8[%swap3A_199, %swap3A_200], %swap3A_203 {strides = array<i32>} : memref<50x128xi32, #tpu.memory_space<vmem>>, vector<1x16xi32>,
      %get3A_204 = arith.index_cast %scan3A_33 : i32 to index
      %get3A_205 = arith.constant 112 : index
      %get3A_206 = tpu.vector_load %arg6[%get3A_204, %get3A_205] {strides = array<i32>} : memref<50x128xi32, #tpu.memory_space<vmem>>, vector<1x16xi32>,
      %get3A_207 = vector.shape_cast %get3A_206 : vector<1x16xi32> to vector<16xi32>
      %and3A_208 = arith.constant 1 : i32
      %and3A_209 = vector.broadcast %and3A_208 : i32 to vector<16xi32>
      %and3A_210 = arith.andi %get3A_207, %and3A_209 : vector<16xi32>
      %shift_right_logical3A_211 = arith.constant 1 : i32
      %shift_right_logical3A_212 = vector.broadcast %shift_right_logical3A_211 : i32 to vector<16xi32>
      %shift_right_logical3A_213 = arith.shrui %get3A_207, %shift_right_logical3A_212 : vector<16xi32>
      %sub3A_214 = arith.constant 1 : i32
      %sub3A_215 = vector.broadcast %sub3A_214 : i32 to vector<16xi32>
      %sub3A_216 = arith.subi %sub3A_215, %and3A_210 : vector<16xi32>
      %mul3A_217 = arith.muli %shift_right_logical3A_213, %sub3A_216 : vector<16xi32>
      %swap3A_218 = arith.index_cast %scan3A_33 : i32 to index
      %swap3A_219 = arith.constant 112 : index
      %swap3A_220 = tpu.vector_load %arg7[%swap3A_218, %swap3A_219] {strides = array<i32>} : memref<50x128xi32, #tpu.memory_space<vmem>>, vector<1x16xi32>,
      %swap3A_221 = vector.shape_cast %swap3A_220 : vector<1x16xi32> to vector<16xi32>
      %swap3A_222 = vector.shape_cast %mul3A_217 : vector<16xi32> to vector<1x16xi32>
      tpu.vector_store %arg7[%swap3A_218, %swap3A_219], %swap3A_222 {strides = array<i32>} : memref<50x128xi32, #tpu.memory_space<vmem>>, vector<1x16xi32>,
      %mul3A_223 = arith.muli %shift_right_logical3A_213, %and3A_210 : vector<16xi32>
      %swap3A_224 = arith.index_cast %scan3A_33 : i32 to index
      %swap3A_225 = arith.constant 112 : index
      %swap3A_226 = tpu.vector_load %arg8[%swap3A_224, %swap3A_225] {strides = array<i32>} : memref<50x128xi32, #tpu.memory_space<vmem>>, vector<1x16xi32>,
      %swap3A_227 = vector.shape_cast %swap3A_226 : vector<1x16xi32> to vector<16xi32>
      %swap3A_228 = vector.shape_cast %mul3A_223 : vector<16xi32> to vector<1x16xi32>
      tpu.vector_store %arg8[%swap3A_224, %swap3A_225], %swap3A_228 {strides = array<i32>} : memref<50x128xi32, #tpu.memory_space<vmem>>, vector<1x16xi32>,
    }
    %scan3A_20 = arith.constant 50 : i32
    %scan3A_21 = arith.constant 0 : i32
    %scan3A_22 = arith.constant 0 : i32
    %scan3A_23 = arith.constant 50 : i32
    %scan3A_24 = arith.addi %scan3A_22, %scan3A_23 : i32
    %scan3A_25 = arith.constant 1 : i32
    scf.for %scan3A_33 = %scan3A_22 to %scan3A_24 step %scan3A_25  : i32 {
      %dma_start3A_34 = arith.constant 0 : i32
      %dma_start3A_35 = tpu.memref_slice %arg7[%scan3A_33, %dma_start3A_34] : memref<50x128xi32, #tpu.memory_space<vmem>> -> memref<1x128xi32, #tpu.memory_space<vmem>>
      %dma_start3A_36 = tpu.memref_squeeze %dma_start3A_35 : memref<1x128xi32, #tpu.memory_space<vmem>> -> memref<128xi32, #tpu.memory_space<vmem>>
      %dma_start3A_37 = arith.constant 0 : i32
      %dma_start3A_38 = arith.constant 0 : i32
      %dma_start3A_39 = tpu.memref_slice %arg3[%dma_start3A_37, %dma_start3A_38] : memref<500000x128xf32, #tpu.memory_space<hbm>> -> memref<500000x128xf32, #tpu.memory_space<hbm>>
      tpu.enqueue_indirect_dma source(%dma_start3A_39 : memref<500000x128xf32, #tpu.memory_space<hbm>>) target(%arg9 : memref<128x128xf32, #tpu.memory_space<vmem>>) offsets(%dma_start3A_36 : memref<128xi32, #tpu.memory_space<vmem>>) semaphore(%arg12 : memref<!tpu.dma_semaphore, #tpu.memory_space<semaphore_mem>>) {add = true}
      %dma_start3A_40 = arith.constant 0 : i32
      %dma_start3A_41 = tpu.memref_slice %arg8[%scan3A_33, %dma_start3A_40] : memref<50x128xi32, #tpu.memory_space<vmem>> -> memref<1x128xi32, #tpu.memory_space<vmem>>
      %dma_start3A_42 = tpu.memref_squeeze %dma_start3A_41 : memref<1x128xi32, #tpu.memory_space<vmem>> -> memref<128xi32, #tpu.memory_space<vmem>>
      %dma_start3A_43 = arith.constant 0 : i32
      %dma_start3A_44 = arith.constant 0 : i32
      %dma_start3A_45 = tpu.memref_slice %arg3[%dma_start3A_43, %dma_start3A_44] : memref<500000x128xf32, #tpu.memory_space<hbm>> -> memref<500000x128xf32, #tpu.memory_space<hbm>>
      tpu.enqueue_indirect_dma source(%dma_start3A_45 : memref<500000x128xf32, #tpu.memory_space<hbm>>) target(%arg10 : memref<128x128xf32, #tpu.memory_space<vmem>>) offsets(%dma_start3A_42 : memref<128xi32, #tpu.memory_space<vmem>>) semaphore(%arg12 : memref<!tpu.dma_semaphore, #tpu.memory_space<semaphore_mem>>) {add = true}
    }
    %scan3A_26 = arith.constant 50 : i32
    %scan3A_27 = arith.constant 0 : i32
    %scan3A_28 = arith.constant 0 : i32
    %scan3A_29 = arith.constant 50 : i32
    %scan3A_30 = arith.addi %scan3A_28, %scan3A_29 : i32
    %scan3A_31 = arith.constant 1 : i32
    scf.for %scan3A_33 = %scan3A_28 to %scan3A_30 step %scan3A_31  : i32 {
      %dma_wait3A_34 = arith.constant 0 : i32
      %dma_wait3A_35 = arith.constant 0 : i32
      %dma_wait3A_36 = tpu.memref_slice %arg7[%dma_wait3A_34, %dma_wait3A_35] : memref<50x128xi32, #tpu.memory_space<vmem>> -> memref<1x128xi32, #tpu.memory_space<vmem>>
      %dma_wait3A_37 = tpu.memref_squeeze %dma_wait3A_36 : memref<1x128xi32, #tpu.memory_space<vmem>> -> memref<128xi32, #tpu.memory_space<vmem>>
      %dma_wait3A_38 = arith.constant 0 : i32
      %dma_wait3A_39 = arith.constant 0 : i32
      %dma_wait3A_40 = tpu.memref_slice %arg3[%dma_wait3A_38, %dma_wait3A_39] : memref<500000x128xf32, #tpu.memory_space<hbm>> -> memref<500000x128xf32, #tpu.memory_space<hbm>>
      tpu.wait_indirect_dma semaphore(%arg12 : memref<!tpu.dma_semaphore, #tpu.memory_space<semaphore_mem>>) src(%dma_wait3A_40 : memref<500000x128xf32, #tpu.memory_space<hbm>>) dst(%arg9 : memref<128x128xf32, #tpu.memory_space<vmem>>)
      %dma_wait3A_41 = arith.constant 0 : i32
      %dma_wait3A_42 = arith.constant 0 : i32
      %dma_wait3A_43 = tpu.memref_slice %arg8[%dma_wait3A_41, %dma_wait3A_42] : memref<50x128xi32, #tpu.memory_space<vmem>> -> memref<1x128xi32, #tpu.memory_space<vmem>>
      %dma_wait3A_44 = tpu.memref_squeeze %dma_wait3A_43 : memref<1x128xi32, #tpu.memory_space<vmem>> -> memref<128xi32, #tpu.memory_space<vmem>>
      %dma_wait3A_45 = arith.constant 0 : i32
      %dma_wait3A_46 = arith.constant 0 : i32
      %dma_wait3A_47 = tpu.memref_slice %arg3[%dma_wait3A_45, %dma_wait3A_46] : memref<500000x128xf32, #tpu.memory_space<hbm>> -> memref<500000x128xf32, #tpu.memory_space<hbm>>
      tpu.wait_indirect_dma semaphore(%arg12 : memref<!tpu.dma_semaphore, #tpu.memory_space<semaphore_mem>>) src(%dma_wait3A_47 : memref<500000x128xf32, #tpu.memory_space<hbm>>) dst(%arg10 : memref<128x128xf32, #tpu.memory_space<vmem>>)
    }
    %scan3A_32 = arith.constant 50 : i32
    "tpu.region"() ({
      %run_scoped3A = tpu.sem_alloc : memref<!tpu.dma_semaphore, #tpu.memory_space<semaphore_mem>>
      %dma_start3A_33 = arith.constant 0 : i32
      %dma_start3A_34 = tpu.memref_slice %arg4[%mul3A_2, %dma_start3A_33] : memref<4096x128xf32, #tpu.memory_space<hbm>> -> memref<128x128xf32, #tpu.memory_space<hbm>>
      %dma_start3A_35 = arith.constant 0 : i32
      %dma_start3A_36 = tpu.memref_slice %arg4[%mul3A_2, %dma_start3A_35] : memref<4096x128xf32, #tpu.memory_space<hbm>> -> memref<128x128xf32, #tpu.memory_space<hbm>>
      tpu.enqueue_dma source(%arg9 : memref<128x128xf32, #tpu.memory_space<vmem>>) target(%dma_start3A_36 : memref<128x128xf32, #tpu.memory_space<hbm>>) target_semaphore(%run_scoped3A : memref<!tpu.dma_semaphore, #tpu.memory_space<semaphore_mem>>)
      %dma_wait3A_37 = arith.constant 0 : i32
      %dma_wait3A_38 = tpu.memref_slice %arg4[%mul3A_2, %dma_wait3A_37] : memref<4096x128xf32, #tpu.memory_space<hbm>> -> memref<128x128xf32, #tpu.memory_space<hbm>>
      %dma_wait3A_39 = arith.constant 0 : i32
      %dma_wait3A_40 = tpu.memref_slice %arg4[%mul3A_2, %dma_wait3A_39] : memref<4096x128xf32, #tpu.memory_space<hbm>> -> memref<128x128xf32, #tpu.memory_space<hbm>>
      tpu.wait_dma2 semaphore(%run_scoped3A : memref<!tpu.dma_semaphore, #tpu.memory_space<semaphore_mem>>) src(%arg9 : memref<128x128xf32, #tpu.memory_space<vmem>>) dst(%dma_wait3A_40 : memref<128x128xf32, #tpu.memory_space<hbm>>)
      tpu.yield
    }) : () -> ()
    "tpu.region"() ({
      %run_scoped3A = tpu.sem_alloc : memref<!tpu.dma_semaphore, #tpu.memory_space<semaphore_mem>>
      %dma_start3A_33 = arith.constant 0 : i32
      %dma_start3A_34 = tpu.memref_slice %arg5[%mul3A_2, %dma_start3A_33] : memref<4096x128xf32, #tpu.memory_space<hbm>> -> memref<128x128xf32, #tpu.memory_space<hbm>>
      %dma_start3A_35 = arith.constant 0 : i32
      %dma_start3A_36 = tpu.memref_slice %arg5[%mul3A_2, %dma_start3A_35] : memref<4096x128xf32, #tpu.memory_space<hbm>> -> memref<128x128xf32, #tpu.memory_space<hbm>>
      tpu.enqueue_dma source(%arg10 : memref<128x128xf32, #tpu.memory_space<vmem>>) target(%dma_start3A_36 : memref<128x128xf32, #tpu.memory_space<hbm>>) target_semaphore(%run_scoped3A : memref<!tpu.dma_semaphore, #tpu.memory_space<semaphore_mem>>)
      %dma_wait3A_37 = arith.constant 0 : i32
      %dma_wait3A_38 = tpu.memref_slice %arg5[%mul3A_2, %dma_wait3A_37] : memref<4096x128xf32, #tpu.memory_space<hbm>> -> memref<128x128xf32, #tpu.memory_space<hbm>>
      %dma_wait3A_39 = arith.constant 0 : i32
      %dma_wait3A_40 = tpu.memref_slice %arg5[%mul3A_2, %dma_wait3A_39] : memref<4096x128xf32, #tpu.memory_space<hbm>> -> memref<128x128xf32, #tpu.memory_space<hbm>>
      tpu.wait_dma2 semaphore(%run_scoped3A : memref<!tpu.dma_semaphore, #tpu.memory_space<semaphore_mem>>) src(%arg10 : memref<128x128xf32, #tpu.memory_space<vmem>>) dst(%dma_wait3A_40 : memref<128x128xf32, #tpu.memory_space<hbm>>)
      tpu.yield
    }) : () -> ()
    return
  }
}

module attributes {stable_mosaic.version = 14 : i64} {
  func.func @_tr_body(%arg0: memref<4096x50xi32, #tpu.memory_space<vmem>>, %arg1: memref<50x4096xi32, #tpu.memory_space<vmem>>) attributes {dimension_semantics = [], scalar_prefetch = 0 : i64, scratch_operands = 0 : i64, tpu.core_type = #tpu.core_type<tc>} {
    %get3A = arith.constant 0 : index
    %get3A_0 = arith.constant 0 : index
    %get3A_1 = vector.load %arg0[%get3A, %get3A_0] : memref<4096x50xi32, #tpu.memory_space<vmem>>, vector<4096x50xi32>
    %transpose3A = tpu.transpose %get3A_1, [1, 0] : vector<4096x50xi32> -> vector<50x4096xi32>
    %swap3A = arith.constant 0 : index
    %swap3A_2 = arith.constant 0 : index
    %swap3A_3 = vector.load %arg1[%swap3A, %swap3A_2] : memref<50x4096xi32, #tpu.memory_space<vmem>>, vector<50x4096xi32>
    tpu.vector_store %arg1[%swap3A, %swap3A_2], %transpose3A {strides = array<i32>} : memref<50x4096xi32, #tpu.memory_space<vmem>>, vector<50x4096xi32>,
    return
  }
}

module attributes {stable_mosaic.version = 14 : i64} {
  func.func @_linear_body(%arg0: memref<4096x128xf32, #tpu.memory_space<vmem>>, %arg1: memref<4096x128xf32, #tpu.memory_space<vmem>>, %arg2: memref<4096x50xi32, #tpu.memory_space<vmem>>, %arg3: memref<2x64xf32, #tpu.memory_space<vmem>>, %arg4: memref<64x64xf32, #tpu.memory_space<vmem>>, %arg5: memref<1x64xf32, #tpu.memory_space<vmem>>, %arg6: memref<4096x64xf32, #tpu.memory_space<vmem>>) attributes {dimension_semantics = [], scalar_prefetch = 0 : i64, scratch_operands = 0 : i64, tpu.core_type = #tpu.core_type<tc>} {
    %get3A = arith.constant 0 : index
    %get3A_0 = arith.constant 0 : index
    %get3A_1 = vector.load %arg2[%get3A, %get3A_0] : memref<4096x50xi32, #tpu.memory_space<vmem>>, vector<4096x50xi32>
    %and3A = arith.constant 1 : i32
    %and3A_2 = vector.broadcast %and3A : i32 to vector<4096x50xi32>
    %and3A_3 = arith.andi %get3A_1, %and3A_2 : vector<4096x50xi32>
    %convert_element_type3A = arith.sitofp %and3A_3 : vector<4096x50xi32> to vector<4096x50xf32>
    %reduce_sum3A = arith.constant dense<0.000000e+00> : vector<4096xf32>
    %reduce_sum3A_4 = vector.multi_reduction <add>, %convert_element_type3A, %reduce_sum3A [1] : vector<4096x50xf32> to vector<4096xf32>
    %broadcast_in_dim3A = vector.shape_cast %reduce_sum3A_4 : vector<4096xf32> to vector<4096x1xf32>
    %sub3A = arith.constant 5.000000e+01 : f32
    %sub3A_5 = vector.broadcast %sub3A : f32 to vector<4096x1xf32>
    %sub3A_6 = arith.subf %sub3A_5, %broadcast_in_dim3A : vector<4096x1xf32>
    %get3A_7 = arith.constant 0 : index
    %get3A_8 = arith.constant 0 : index
    %get3A_9 = vector.load %arg0[%get3A_7, %get3A_8] : memref<4096x128xf32, #tpu.memory_space<vmem>>, vector<4096x64xf32>
    %get3A_10 = arith.constant 0 : index
    %get3A_11 = arith.constant 64 : index
    %get3A_12 = vector.load %arg1[%get3A_10, %get3A_11] : memref<4096x128xf32, #tpu.memory_space<vmem>>, vector<4096x64xf32>
    %add3A = arith.addf %get3A_9, %get3A_12 : vector<4096x64xf32>
    %get3A_13 = arith.constant 0 : index
    %get3A_14 = arith.constant 0 : index
    %get3A_15 = vector.load %arg3[%get3A_13, %get3A_14] : memref<2x64xf32, #tpu.memory_space<vmem>>, vector<1x64xf32>
    %mul3A = vector.broadcast %broadcast_in_dim3A : vector<4096x1xf32> to vector<4096x64xf32>
    %mul3A_16 = vector.broadcast %get3A_15 : vector<1x64xf32> to vector<4096x64xf32>
    %mul3A_17 = arith.mulf %mul3A, %mul3A_16 : vector<4096x64xf32>
    %sub3A_18 = arith.subf %add3A, %mul3A_17 : vector<4096x64xf32>
    %get3A_19 = arith.constant 1 : index
    %get3A_20 = arith.constant 0 : index
    %get3A_21 = vector.load %arg3[%get3A_19, %get3A_20] : memref<2x64xf32, #tpu.memory_space<vmem>>, vector<1x64xf32>
    %mul3A_22 = vector.broadcast %sub3A_6 : vector<4096x1xf32> to vector<4096x64xf32>
    %mul3A_23 = vector.broadcast %get3A_21 : vector<1x64xf32> to vector<4096x64xf32>
    %mul3A_24 = arith.mulf %mul3A_22, %mul3A_23 : vector<4096x64xf32>
    %sub3A_25 = arith.subf %sub3A_18, %mul3A_24 : vector<4096x64xf32>
    %mul3A_26 = arith.constant 2.000000e-02 : f32
    %mul3A_27 = vector.broadcast %mul3A_26 : f32 to vector<4096x64xf32>
    %mul3A_28 = arith.mulf %sub3A_25, %mul3A_27 : vector<4096x64xf32>
    %get3A_29 = arith.constant 0 : index
    %get3A_30 = arith.constant 0 : index
    %get3A_31 = vector.load %arg4[%get3A_29, %get3A_30] : memref<64x64xf32, #tpu.memory_space<vmem>>, vector<64x64xf32>
    %dot_general3A = arith.constant dense<0.000000e+00> : vector<4096x64xf32>
    %dot_general3A_32 = tpu.matmul %mul3A_28, %get3A_31, %dot_general3A {dimension_numbers = #tpu.dot_dimension_numbers<[1], [1], [0], [0], [0, 0, 1, 0], [], []>, transpose_lhs_hint = false} : vector<4096x64xf32>, vector<64x64xf32>, vector<4096x64xf32> -> vector<4096x64xf32>
    %get3A_33 = arith.constant 0 : index
    %get3A_34 = arith.constant 0 : index
    %get3A_35 = vector.load %arg5[%get3A_33, %get3A_34] : memref<1x64xf32, #tpu.memory_space<vmem>>, vector<1x64xf32>
    %add3A_36 = vector.broadcast %get3A_35 : vector<1x64xf32> to vector<4096x64xf32>
    %add3A_37 = arith.addf %dot_general3A_32, %add3A_36 : vector<4096x64xf32>
    %swap3A = arith.constant 0 : index
    %swap3A_38 = arith.constant 0 : index
    %swap3A_39 = vector.load %arg6[%swap3A, %swap3A_38] : memref<4096x64xf32, #tpu.memory_space<vmem>>, vector<4096x64xf32>
    tpu.vector_store %arg6[%swap3A, %swap3A_38], %add3A_37 {strides = array<i32>} : memref<4096x64xf32, #tpu.memory_space<vmem>>, vector<4096x64xf32>,
    return
  }
}

</mosaic_0001>

<sc_bundles>
// kernel: kernel.5.cloned.1.call-start
scs
__scs_entry_jumppad:
0x0: {  	(pc) =	sbr.rel $0x88, $3  }
0x1: {  	(tag) =	ssettag $0x0;
	lr =	simm.s32 $0x1  }
0x2: {  	[smem:$0x3F9D] =	sst lr;
	_ =	strace $0xD0000000  }
0x3: {  	_ = 	snop  }
0x4: {  	_ = 	snop  }
0x5: {  	_ = 	snop  }
0x6: {  	_ = 	snop  }
0x7: {  	_ = 	snop  }
__scs_overlays_trampoline_lowered:
0x8: {  	[smem:$0x3FAC] =	sst s0  }
0x9: {  	[smem:$0x3FAD] =	sst s1  }
0xa: {  	[smem:$0x3FAE] =	sst s2  }
0xb: {  	[smem:$0x3FAF] =	sst s3  }
0xc: {  	[smem:$0x3FB0] =	sst s4  }
0xd: {  	[smem:$0x3FB1] =	sst s5  }
0xe: {  	[smem:$0x3FB2] =	sst s6  }
0xf: {  	[smem:$0x3FB3] =	sst s7  }
0x10: {  	[smem:$0x3FB4] =	sst s8  }
0x11: {  	[smem:$0x3FB5] =	sst s9;
	s0 =	simm.s32 @!p0 $0x0  }
0x12: {  	s1 =	sld [smem:$0x3F9B];
	s0 =	simm.s32 @p0 $0x1  }
0x13: {  	[smem:$0x3FB6] =	sst s0;
	s0 =	simm.s32 @!p1 $0x0  }
0x14: {  	s2 =	sld [smem:$0x3F9A];
	s0 =	simm.s32 @p1 $0x1  }
0x15: {  	[smem:$0x3FB7] =	sst s0;
	s0 =	simm.s32 @!p2 $0x0  }
0x16: {  	s3 =	sld [smem:$0x3FDB];
	s0 =	simm.s32 @p2 $0x1  }
0x17: {  	s4 =	simm.s32 $0x1BF5;
	[smem:$0x3FB9] =	sst s0  }
0x18: {  	s0 =	sld [smem:$0x3F9C];
	_ =	swait.ge [sflag:s4], $0x0  }
0x19: {  	s7 =	sld [smem:$0x3F9D]  }
0x1a: {  	s8 =	sadd.s32 $0xFFFFE003, lr  }
0x1b: {  	s9 =	sadd.s32 $0xFFFFFEF7, lr;
	s5 =	simm.s32 $0xFFFFFFFF;
	p2 =	slt.u32 s8, $0xFFFFF086  }
0x1c: {  	p1 =	slt.u32 s9, $0xF7A;
	s5 =	simm.s32 @!p2 $0x0  }
0x1d: {  	s5 =	simm.s32 @p1 $0x1;
	p0 =	seq.s32 s7, s2  }
0x1e: {  	s7 =	smul.u32 @!p0 $0xF7A, s2;
	p2 =	seq.s32 @!p0 s5, $0x0  }
0x1f: {  	s9 =	smul.u32 $0xF7A, s1;
	s8 =	simm.s32 @!p0 $0x1BF5;
	p2 =	por !p2, p0  }
0x20: {  	[sflag:s8] =	ssyncset.s32 @!p0 $0xFFFFF086;
	s6 =	sadd.s32 @!p0 s3, s7;
	s7 =	simm.s32 @!p0 $0x108  }
0x21: {  	s3 =	sadd.s32 s3, s9;
	s6 =	sadd.s32 @!p0 $0x88, s6;
	s7 =	simm.s32 @p2 $0x1082  }
0x22: {  	[simem:s7], [sflag:s8] =	dma.local @!p0 [hbm:s6], $0xF7A  }
0x23: {  	s9 =	sor.u32 $0xD0000000, s2;
	s6 =	simm.s32 $0x108;
	_ =	swait.ge @!p0 [sflag:s8], $0x0  }
0x24: {  	s3 =	sadd.s32 $0x88, s3;
	s6 =	simm.s32 @!p1 $0x1082;
	[sflag:s4] =	ssyncset.s32 $0xFFFFF086  }
0x25: {  	[simem:s6], [sflag:s4] =	dma.local [hbm:s3], $0xF7A  }
0x26: {  	[smem:$0x3F9D] =	sst s1;
	(tag) =	ssettag s2;
	_ =	strace s9  }
0x27: {  	s1 =	sld [smem:$0x3FAD]  }
0x28: {  	s2 =	sld [smem:$0x3FAE]  }
0x29: {  	s4 =	sld [smem:$0x3FB0]  }
0x2a: {  	p0 =	seq.s32 s5, $0x0;
	s5 =	sld [smem:$0x3FB1]  }
0x2b: {  	s6 =	sld [smem:$0x3FB2]  }
0x2c: {  	s7 =	sld [smem:$0x3FB3]  }
0x2d: {  	s3 =	simm.s32 $0x108;
	s8 =	sld [smem:$0x3FB4]  }
0x2e: {  	s3 =	simm.s32 @!p0 $0x1082;
	s9 =	sld [smem:$0x3FB5]  }
0x2f: {  	lr =	sadd.s32 s0, s3;
	s0 =	sld [smem:$0x3FAC]  }
0x30: {  	s3 =	sld [smem:$0x3FAF]  }
0x31: {  	[smem:$0x3FB8] =	sst s10  }
0x32: {  	s10 =	sld [smem:$0x3FB6];
	_ =	sdelay $0x3  }
0x33: {  	p0 =	seq.s32 s10, $0x1;
	s10 =	sld [smem:$0x3FB8];
	_ =	sdelay $0x3  }
0x34: {  	[smem:$0x3FB8] =	sst s10  }
0x35: {  	s10 =	sld [smem:$0x3FB7];
	_ =	sdelay $0x3  }
0x36: {  	p1 =	seq.s32 s10, $0x1;
	s10 =	sld [smem:$0x3FB8];
	_ =	sdelay $0x3  }
0x37: {  	[smem:$0x3FB8] =	sst s10  }
0x38: {  	s10 =	sld [smem:$0x3FB9]  }
0x39: {  	_ = 	snop;
	(pc) =	sbr.ind lr, $3  }
0x3a: {  	_ = 	snop  }
0x3b: {  	_ = 	snop  }
0x3c: {  	p2 =	seq.s32 s10, $0x1;
	s10 =	sld [smem:$0x3FB8]  }
0x3d: {  	_ =	shalt  }
0x3e: {  	_ =	shalt  }
0x3f: {  	_ =	shalt  }
0x40: {  	_ =	shalt  }
0x41: {  	_ =	shalt  }
0x42: {  	_ =	shalt  }
0x43: {  	_ =	shalt  }
0x44: {  	_ =	shalt  }
0x45: {  	_ =	shalt  }
0x46: {  	_ =	shalt  }
0x47: {  	_ =	shalt  }
0x48: {  	_ =	shalt  }
0x49: {  	_ =	shalt  }
0x4a: {  	_ =	shalt  }
0x4b: {  	_ =	shalt  }
0x4c: {  	_ =	shalt  }
0x4d: {  	_ =	shalt  }
0x4e: {  	_ =	shalt  }
0x4f: {  	_ =	shalt  }
0x50: {  	_ =	shalt  }
0x51: {  	_ =	shalt  }
0x52: {  	_ =	shalt  }
0x53: {  	_ =	shalt  }
0x54: {  	_ =	shalt  }
0x55: {  	_ =	shalt  }
0x56: {  	_ =	shalt  }
0x57: {  	_ =	shalt  }
0x58: {  	_ =	shalt  }
0x59: {  	_ =	shalt  }
0x5a: {  	_ =	shalt  }
0x5b: {  	_ =	shalt  }
0x5c: {  	_ =	shalt  }
0x5d: {  	_ =	shalt  }
0x5e: {  	_ =	shalt  }
0x5f: {  	_ =	shalt  }
0x60: {  	_ =	shalt  }
0x61: {  	_ =	shalt  }
0x62: {  	_ =	shalt  }
0x63: {  	_ =	shalt  }
0x64: {  	_ =	shalt  }
0x65: {  	_ =	shalt  }
0x66: {  	_ =	shalt  }
0x67: {  	_ =	shalt  }
0x68: {  	_ =	shalt  }
0x69: {  	_ =	shalt  }
0x6a: {  	_ =	shalt  }
0x6b: {  	_ =	shalt  }
0x6c: {  	_ =	shalt  }
0x6d: {  	_ =	shalt  }
0x6e: {  	_ =	shalt  }
0x6f: {  	_ =	shalt  }
0x70: {  	_ =	shalt  }
0x71: {  	_ =	shalt  }
0x72: {  	_ =	shalt  }
0x73: {  	_ =	shalt  }
0x74: {  	_ =	shalt  }
0x75: {  	_ =	shalt  }
0x76: {  	_ =	shalt  }
0x77: {  	_ =	shalt  }
0x78: {  	_ =	shalt  }
0x79: {  	_ =	shalt  }
0x7a: {  	_ =	shalt  }
0x7b: {  	_ =	shalt  }
0x7c: {  	_ =	shalt  }
0x7d: {  	_ =	shalt  }
0x7e: {  	_ =	shalt  }
0x7f: {  	_ =	shalt  }
0x80: {  	_ =	shalt  }
0x81: {  	_ =	shalt  }
0x82: {  	_ =	shalt  }
0x83: {  	_ =	shalt  }
0x84: {  	_ =	shalt  }
0x85: {  	_ =	shalt  }
0x86: {  	_ =	shalt  }
0x87: {  	_ =	shalt  }
.Lfunc_end0:
.L_simem_size_0:
called_computation_lowered:
.L_overlay_start_0:
0x88: {  	s2 =	sld [smem:$0x3FD9]  }
0x89: {  	s3 =	sld [smem:$0x3FFE];
	_ =	sdelay $0x1  }
0x8a: {  	s1 =	srdreg.scid  }
0x8b: {  	s0 =	sand.u32 $0x1, s1  }
0x8c: {  	s17 =	sshll.u32 s0, $0xA;
	s2 =	sadd.s32 s3, s2  }
0x8d: {  	s2 =	sadd.s32 s2, s17  }
0x8e: {  	[smem:$0x3FC4] =	sst s2  }
0x8f: {  	_ = 	snop  }
0x90: {  	s2 =	sld [smem:$0x3FD0];
	(tm) =	ssettm $0x1  }
0x91: {  	s18 =	sld [smem:$0x3FFB];
	_ =	sdelay $0x3  }
0x92: {  	_ =	strace s18  }
0x93: {  	s3 =	sld [smem:$0x3FFC];
	_ =	sdelay $0x3  }
0x94: {  	_ =	strace s3  }
0x95: {  	s3 =	sld [smem:$0x3FFD];
	_ =	sdelay $0x3  }
0x96: {  	_ =	strace s3  }
0x97: {  	_ =	strace $0x8FFFFFFF  }
0x98: {  	s19 =	sld [smem:$0x3FDB];
	_ =	sdelay $0x1  }
0x99: {  	s4 =	simm.s32 $_scs_section_size  }
0x9a: {  	s5 =	simm.s32 $_size__tile_overlayer_lowered;
	s6 =	simm.s32 $_tile_overlayer_lowered  }
0x9b: {  	s22 =	simm.s32 $0x1BFF;
	s21 =	sshll.u32 s6, $0x1;
	s3 =	sadd.s32 s4, s19  }
0x9c: {  	s7 =	simm.s32 $0x0;
	s20 =	sshll.u32 s5, $0x1;
	s5 =	sadd.s32 s21, s3  }
0x9d: {  	[timem:s7], [sflag:s22] =	dma.local [hbm:s5], s20  }
0x9e: {  	_ =	swait.ge [sflag:s22], s20  }
0x9f: {  	s4 =	ssub.s32 $0x0, s20;
	[sflag:s22] =	ssyncset.done $0x0  }
0xa0: {  	[sflag:s22] =	ssyncadd.s32 s4;
	_ =	sdelay $0x1  }
0xa1: {  	s23 =	simm.s32 $0x1B8B  }
0xa2: {  	_ =	swait.ge [sflag:s23], $0x1  }
0xa3: {  	[sflag:s23] =	ssyncset.done $0x0  }
0xa4: {  	s25 =	simm.s32 $0x1B8E;
	s24 =	sld [smem:$0x3FFE];
	[sflag:s23] =	ssyncadd.s32 $0xFFFFFFFF  }
0xa5: {  	s26 =	simm.s32 $execute0_lowered;
	[smem:$0x3FD2] =	sst s25  }
0xa6: {  	s5 =	sshll.u32 s26, $0x1;
	_ =	strace $0x80000046;
	[dreg:$0x1] =	wrdreg $0xFFFFFFFF  }
0xa7: {  	s28 =	simm.s32 $_size_execute0_lowered;
	s3 =	sadd.s32 s3, s5;
	[dreg:$0x0] =	wrdreg $0x0  }
0xa8: {  	s5 =	sshll.u32 s28, $0x1;
	[dreg:$0x2] =	wrdreg s3  }
0xa9: {  	[dreg:$0x3] =	wrdreg s5  }
0xaa: {  	[dreg:$0x4] =	wrdreg $0xC0  }
0xab: {  	_ =	task [dreg:s7], $0x5FFFF  }
0xac: {  	[dreg:$0x1] =	wrdreg $0xFFFFFFFF  }
0xad: {  	[dreg:$0x0] =	wrdreg $0x60  }
0xae: {  	[dreg:$0x2] =	wrdreg s2  }
0xaf: {  	[dreg:$0x3] =	wrdreg s24  }
0xb0: {  	[dreg:$0x4] =	wrdreg $0x9  }
0xb1: {  	_ =	task.clear_ibuf [dreg:s7], $0x5FFFF;
	_ =	strace $0x90000046  }
0xb2: {  	s29 =	simm.s32 $0x9;
	_ =	strace $0x80000048  }
0xb3: {  	_ =	swait.ge [sflag:s29], $0x1  }
0xb4: {  	[sflag:s29] =	ssyncadd.s32 $0xFFFFFFFF  }
0xb5: {  	_ =	strace $0x90000048  }
0xb6: {  	_ =	sfence  }
0xb7: {  	s30 =	sld [smem:$0x0];
	_ =	sdelay $0x2  }
0xb8: {  	s31 =	sshll.u32 s1, $0xD;
	s1 =	sshrl.u32 s1, $0x2  }
0xb9: {  	s3 =	sand.u32 $0x4000, s31;
	s1 =	sadd.s32 s1, s30  }
0xba: {  	s0 =	sor.u32 s3, s0;
	s1 =	sshll.u32 s1, $0x11  }
0xbb: {  	s0 =	sor.u32 s1, s0  }
0xbc: {  	s0 =	sadd.s32 $0x8F2B, s0  }
0xbd: {  	[sflag:s0] =	ssyncadd.remote.s32 $0x1  }
0xbe: {  	_ =	sfence.sel $0xFFFF  }
0xbf: {  	[dreg:$0x0] =	wrdreg $0xFFFFFFFF;
	(pc) =	sbr.abs _section_cstart, $3  }
0xc0: {  	[dreg:$0x1] =	wrdreg $0xFFFFFFFF  }
0xc1: {  	_ =	task.clear_ibuf [dreg:s7], $0x2FFFF;
	_ =	strace $0x9FFFFFFF  }
0xc2: {  	(tm) =	ssettm $0x7FFFFFFF  }
0xc3: {  	_ =	shalt  }
tec
execute0_lowered:
.L_overlay_start_1:
0x0: {  	(tag) =	ssettag $0x1  }
0x1: {  	s4 =	rddreg [dreg:$0x0]  }
0x2: {  	s5 =	rddreg [dreg:$0x1]  }
0x3: {  	s0 =	rddreg [dreg:$0x2]  }
0x4: {  	s3 =	srdreg.scid;
	s2 =	simm.s32 $0x0;
	s1 =	stileid.u32  }
0x5: {  	s10 =	simm.s32 $0x8000;
	s11 =	simm.s32 $0x1800;
	s12 =	simm.s32 $0x1  }
0x6: {  	s13 =	simm.s32 $0x80;
	s14 =	simm.s32 $0x5400;
	s15 =	simm.s32 $0x9400  }
0x7: {  	s16 =	simm.s32 $0x2;
	s17 =	simm.s32 $0x3;
	s6 =	sand.u32 $0x1, s3  }
0x8: {  	s18 =	simm.s32 $0x0;
	s30 =	sshll.u32 s1, $0x8;
	s7 =	sshll.u32 s6, $0x7  }
0x9: {  	[smem:$0x7FF] =	sst s2;
	s3 =	sadd.s32 $0xF53A00, s5;
	s7 =	sor.u32 s7, s30  }
0xa: {  	_ =	strace $0x80000047;
	s6 =	ssub.s32 $0x2, s6;
	s8 =	sshll.u32 s7, $0x4  }
0xb: {  	s31 =	sshrl.u32 s6, $0x1;
	s4 =	sadd.s32 s4, s7;
	s8 =	sadd.s32 s8, s5  }
0xc: {  	s9 =	ssub.s32 s6, s31;
	s5 =	sadd.s32 $0x6000, s4;
	s6 =	sadd.s32 $0x16F4C00, s8  }
0xd: {  	v0 =	vimm.f32 $0.0e+00;
	s7 =	sadd.s32 $0x1704C00, s8;
	s8 =	smax.u32 s9, $0x1;
	s9 =	simm.s32 $0x400  }
.LBB2_1:
0xe: {  	[tilespmem:s2], [sflag:$0x1] =	stream.strided.gather [hbm4b:s4+s9], $0x1800, s10, s9, $0x38;
	[tilespmem:$0xD400] =	vst v63  }
0xf: {  	s19 =	simm.s32 $0x0;
	s20 =	simm.s32 $0x200  }
0x10: {  	[tilespmem:s11], [sflag:$0x1] =	stream.linear.gather [hbm4b:s5+s2], $0x100, $0x38;
	[tilespmem:$0xD400] =	vst v63  }
.LBB2_2:
0x11: {  	p0 =	sne.s32 s20, $0xFE00;
	[tilespmem:s19+$0x9470] =	vst v0  }
0x12: {  	[tilespmem:s19+$0x5400] =	vst v0  }
0x13: {  	[tilespmem:s19+$0x9400] =	vst v0  }
0x14: {  	[tilespmem:s19+$0x5410] =	vst v0  }
0x15: {  	[tilespmem:s19+$0x9410] =	vst v0  }
0x16: {  	[tilespmem:s19+$0x5420] =	vst v0  }
0x17: {  	[tilespmem:s19+$0x9420] =	vst v0  }
0x18: {  	[tilespmem:s19+$0x5430] =	vst v0  }
0x19: {  	[tilespmem:s19+$0x9430] =	vst v0  }
0x1a: {  	[tilespmem:s19+$0x5440] =	vst v0  }
0x1b: {  	[tilespmem:s19+$0x9440] =	vst v0  }
.Ltmp0:
0x1c: {  	[tilespmem:s19+$0x5450] =	vst v0;
	(pc) =	sbr.rel @p0 .LBB2_2-.Ltmp0, $4  }
0x1d: {  	[tilespmem:s19+$0x9450] =	vst v0  }
0x1e: {  	[tilespmem:s19+$0x5460] =	vst v0  }
0x1f: {  	[tilespmem:s19+$0x9460] =	vst v0  }
0x20: {  	[tilespmem:s19+$0x5470] =	vst v0;
	s19 =	sshra.s32 s20, $0x2;
	s20 =	sadd.s32 $0x200, s20  }
0x21: {  	[tilespmem:s19+$0x9470] =	vst v0  }
0x22: {  	[tilespmem:s19+$0x5400] =	vst v0  }
0x23: {  	[tilespmem:s19+$0x9400] =	vst v0  }
0x24: {  	[tilespmem:s19+$0x5410] =	vst v0  }
0x25: {  	[tilespmem:s19+$0x9410] =	vst v0  }
0x26: {  	[tilespmem:s19+$0x5420] =	vst v0  }
0x27: {  	[tilespmem:s19+$0x9420] =	vst v0  }
0x28: {  	[tilespmem:s19+$0x5430] =	vst v0  }
0x29: {  	[tilespmem:s19+$0x9430] =	vst v0  }
0x2a: {  	[tilespmem:s19+$0x5440] =	vst v0  }
0x2b: {  	[tilespmem:s19+$0x9440] =	vst v0  }
0x2c: {  	[tilespmem:s19+$0x5450] =	vst v0  }
0x2d: {  	[tilespmem:s19+$0x9450] =	vst v0  }
0x2e: {  	[tilespmem:s19+$0x5460] =	vst v0  }
0x2f: {  	[tilespmem:s19+$0x9460] =	vst v0  }
0x30: {  	[tilespmem:s19+$0x5470] =	vst v0  }
0x31: {  	_ =	swait.ge [sflag:s12], $0x1900  }
0x32: {  	[sflag:s12] =	ssyncset.done $0x0  }
0x33: {  	s20 =	simm.s32 $0x0;
	[sflag:s12] =	ssyncadd.s32 $0xFFFFE700  }
0x34: {  	v2 =	vld [tilespmem:s20+$0x70]  }
0x35: {  	v5 =	vld [tilespmem:s20+$0x0]  }
0x36: {  	v6 =	vld [tilespmem:s20+$0x10]  }
0x37: {  	v8 =	vld [tilespmem:s20+$0x20]  }
0x38: {  	v10 =	vld [tilespmem:s20+$0x30]  }
0x39: {  	v13 =	vld [tilespmem:s20+$0x40]  }
0x3a: {  	v15 =	vld [tilespmem:s20+$0x50]  }
0x3b: {  	v18 =	vld [tilespmem:s20+$0x60]  }
0x3c: {  	v1 =	vand.u32 $0x1, v2  }
0x3d: {  	v3 =	vand.u32 $0x1, v5;
	v2 =	vshrl.u32 v2, $0x1;
	v4 =	vand.u32 $0x1, v6  }
0x3e: {  	v11 =	vshrl.u32 v6, $0x1;
	v6 =	vand.u32 $0x1, v10;
	v9 =	vshrl.u32 v8, $0x1  }
0x3f: {  	v12 =	vshrl.u32 v10, $0x1;
	v10 =	vand.u32 $0x1, v15;
	v14 =	vshrl.u32 v13, $0x1  }
0x40: {  	v16 =	vshrl.u32 v15, $0x1;
	v15 =	vshrl.u32 v18, $0x1;
	v7 =	vxor.u32 $0x1, v1  }
0x41: {  	v17 =	vxor.u32 $0x1, v3;
	v20 =	vxor.u32 $0x1, v4;
	v24 =	vxor.u32 $0x1, v6  }
0x42: {  	v26 =	vxor.u32 $0x1, v10;
	v19 =	vmul.u32 v2, v7;
	v7 =	vshrl.u32 v5, $0x1  }
0x43: {  	v5 =	vand.u32 $0x1, v8;
	v8 =	vand.u32 $0x1, v13;
	v13 =	vand.u32 $0x1, v18  }
0x44: {  	v22 =	vmul.u32 v11, v20;
	v21 =	vxor.u32 $0x1, v5;
	v25 =	vxor.u32 $0x1, v8  }
0x45: {  	v18 =	vxor.u32 $0x1, v13;
	v23 =	vmul.u32 v7, v17;
	v17 =	vmul.u32 v16, v26  }
0x46: {  	s19 =	simm.s32 $0x200;
	s21 =	simm.s32 $0x80;
	s22 =	simm.s32 $0x400;
	v20 =	vmul.u32 v9, v21;
	[tilespmem:s20+$0x1C70] =	vst v19;
	v21 =	vmul.u32 v12, v24;
	v19 =	vmul.u32 v14, v25  }
.LBB2_4:
0x47: {  	p0 =	sne.s32 s22, $0x6200;
	v24 =	vld [tilespmem:s21+$0x70];
	[tilespmem:s20+$0x1C00] =	vst v23;
	v7 =	vmul.u32 v3, v7;
	v11 =	vmul.u32 v4, v11;
	v4 =	vmul.u32 v15, v18  }
0x48: {  	v23 =	vmul.u32 v6, v12;
	v25 =	vmul.u32 v8, v14;
	v18 =	vld [tilespmem:s21+$0x0];
	[tilespmem:s20+$0x1C10] =	vst v22;
	v22 =	vmul.u32 v5, v9  }
0x49: {  	v26 =	vmul.u32 v13, v15;
	v27 =	vmul.u32 v1, v2;
	v6 =	vld [tilespmem:s21+$0x10];
	[tilespmem:s20+$0x1C20] =	vst v20;
	v20 =	vmul.u32 v10, v16  }
0x4a: {  	v8 =	vld [tilespmem:s21+$0x20];
	[tilespmem:s20+$0x1C30] =	vst v21  }
0x4b: {  	v10 =	vld [tilespmem:s21+$0x30];
	[tilespmem:s20+$0x1C40] =	vst v19  }
0x4c: {  	v13 =	vld [tilespmem:s21+$0x40];
	v1 =	vand.u32 $0x1, v24;
	[tilespmem:s20+$0x1C50] =	vst v17  }
0x4d: {  	v2 =	vshrl.u32 v24, $0x1;
	v3 =	vand.u32 $0x1, v18;
	v15 =	vld [tilespmem:s21+$0x50];
	v5 =	vxor.u32 $0x1, v1;
	[tilespmem:s20+$0x1C60] =	vst v4  }
0x4e: {  	v17 =	vxor.u32 $0x1, v3;
	v4 =	vand.u32 $0x1, v6;
	v19 =	vld [tilespmem:s21+$0x60];
	v9 =	vmul.u32 v2, v5;
	[tilespmem:s20+$0x3800] =	vst v7  }
0x4f: {  	v7 =	vshrl.u32 v18, $0x1;
	v21 =	vxor.u32 $0x1, v4;
	v5 =	vand.u32 $0x1, v8;
	[tilespmem:s20+$0x3810] =	vst v11  }
0x50: {  	v11 =	vshrl.u32 v6, $0x1;
	v24 =	vxor.u32 $0x1, v5;
	v6 =	vand.u32 $0x1, v10;
	[tilespmem:s21+$0x1C70] =	vst v9  }
0x51: {  	v9 =	vshrl.u32 v8, $0x1;
	v28 =	vxor.u32 $0x1, v6;
	v8 =	vand.u32 $0x1, v13;
	[tilespmem:s20+$0x3820] =	vst v22  }
.Ltmp1:
0x52: {  	v12 =	vshrl.u32 v10, $0x1;
	v29 =	vxor.u32 $0x1, v8;
	v10 =	vand.u32 $0x1, v15;
	[tilespmem:s20+$0x3830] =	vst v23;
	(pc) =	sbr.rel @p0 .LBB2_4-.Ltmp1, $4  }
0x53: {  	v14 =	vshrl.u32 v13, $0x1;
	v30 =	vxor.u32 $0x1, v10;
	v13 =	vand.u32 $0x1, v19;
	[tilespmem:s20+$0x3840] =	vst v25  }
0x54: {  	v16 =	vshrl.u32 v15, $0x1;
	v15 =	vshrl.u32 v19, $0x1;
	v18 =	vxor.u32 $0x1, v13;
	[tilespmem:s20+$0x3850] =	vst v20  }
0x55: {  	v22 =	vmul.u32 v11, v21;
	v23 =	vmul.u32 v7, v17;
	v20 =	vmul.u32 v9, v24;
	[tilespmem:s20+$0x3860] =	vst v26  }
0x56: {  	v21 =	vmul.u32 v12, v28;
	v19 =	vmul.u32 v14, v29;
	v17 =	vmul.u32 v16, v30;
	[tilespmem:s20+$0x3870] =	vst v27;
	s20 =	smov.u32 s21;
	s21 =	sshra.s32 s22, $0x2;
	s22 =	sadd.s32 $0x200, s22  }
0x57: {  	v24 =	vld [tilespmem:s21+$0x70];
	[tilespmem:s20+$0x1C00] =	vst v23  }
0x58: {  	v23 =	vld [tilespmem:s21+$0x0];
	[tilespmem:s20+$0x1C10] =	vst v22  }
0x59: {  	v22 =	vld [tilespmem:s21+$0x10];
	[tilespmem:s20+$0x1C20] =	vst v20  }
0x5a: {  	v20 =	vld [tilespmem:s21+$0x20];
	[tilespmem:s20+$0x1C30] =	vst v21  }
0x5b: {  	v18 =	vmul.u32 v15, v18;
	v21 =	vld [tilespmem:s21+$0x30];
	[tilespmem:s20+$0x1C40] =	vst v19  }
0x5c: {  	v3 =	vmul.u32 v3, v7;
	v19 =	vld [tilespmem:s21+$0x40];
	[tilespmem:s20+$0x1C50] =	vst v17;
	v38 =	vand.u32 $0x1, v24  }
0x5d: {  	v4 =	vmul.u32 v4, v11;
	v39 =	vshrl.u32 v24, $0x1;
	v17 =	vld [tilespmem:s21+$0x50];
	[tilespmem:s20+$0x1C60] =	vst v18;
	v40 =	vxor.u32 $0x1, v38  }
0x5e: {  	v41 =	vld [tilespmem:s21+$0x60];
	v18 =	vmul.u32 v39, v40;
	[tilespmem:s20+$0x3800] =	vst v3  }
0x5f: {  	v3 =	vmul.u32 v5, v9;
	[tilespmem:s20+$0x3810] =	vst v4  }
0x60: {  	v42 =	vmul.u32 v6, v12;
	[tilespmem:s21+$0x1C70] =	vst v18  }
0x61: {  	v43 =	vmul.u32 v8, v14;
	[tilespmem:s20+$0x3820] =	vst v3  }
0x62: {  	v44 =	vmul.u32 v10, v16;
	[tilespmem:s20+$0x3830] =	vst v42  }
0x63: {  	v45 =	vmul.u32 v13, v15;
	v46 =	vand.u32 $0x1, v23;
	[tilespmem:s20+$0x3840] =	vst v43  }
0x64: {  	v1 =	vmul.u32 v1, v2;
	v47 =	vshrl.u32 v23, $0x1;
	v2 =	vxor.u32 $0x1, v46;
	[tilespmem:s20+$0x3850] =	vst v44  }
0x65: {  	v49 =	vand.u32 $0x1, v20;
	v53 =	vshrl.u32 v20, $0x1;
	v2 =	vmul.u32 v47, v2;
	[tilespmem:s20+$0x3860] =	vst v45  }
0x66: {  	v51 =	vxor.u32 $0x1, v49;
	v52 =	vand.u32 $0x1, v21;
	v63 =	vmul.u32 v49, v53;
	[tilespmem:s20+$0x3870] =	vst v1  }
0x67: {  	v56 =	vshrl.u32 v21, $0x1;
	v54 =	vxor.u32 $0x1, v52;
	v13 =	vmul.u32 v53, v51;
	[tilespmem:s21+$0x1C00] =	vst v2  }
0x68: {  	v50 =	vshrl.u32 v22, $0x1;
	v3 =	vand.u32 $0x1, v22;
	v15 =	vmul.u32 v56, v54;
	[tilespmem:s21+$0x3820] =	vst v63  }
0x69: {  	v55 =	vand.u32 $0x1, v19;
	v48 =	vxor.u32 $0x1, v3;
	v3 =	vmul.u32 v3, v50;
	[tilespmem:s21+$0x1C20] =	vst v13  }
0x6a: {  	v1 =	vxor.u32 $0x1, v55;
	v2 =	vshrl.u32 v19, $0x1;
	v10 =	vmul.u32 v50, v48;
	[tilespmem:s21+$0x1C30] =	vst v15  }
0x6b: {  	v57 =	vand.u32 $0x1, v17;
	v1 =	vmul.u32 v2, v1;
	[tilespmem:s21+$0x3810] =	vst v3  }
0x6c: {  	v17 =	vshrl.u32 v17, $0x1;
	v58 =	vxor.u32 $0x1, v57;
	v2 =	vmul.u32 v55, v2;
	[tilespmem:s21+$0x1C10] =	vst v10  }
0x6d: {  	v19 =	vmul.u32 v17, v58;
	[tilespmem:s21+$0x1C40] =	vst v1  }
0x6e: {  	v59 =	vand.u32 $0x1, v41;
	v3 =	vmul.u32 v57, v17;
	[tilespmem:s21+$0x3840] =	vst v2  }
0x6f: {  	v60 =	vshrl.u32 v41, $0x1;
	v61 =	vxor.u32 $0x1, v59;
	v1 =	vmul.u32 v46, v47;
	[tilespmem:s21+$0x1C50] =	vst v19  }
0x70: {  	v62 =	vmul.u32 v60, v61;
	[tilespmem:s21+$0x3850] =	vst v3  }
0x71: {  	[tilespmem:s21+$0x3800] =	vst v1;
	v1 =	vmul.u32 v52, v56  }
0x72: {  	v2 =	vmul.u32 v38, v39;
	[tilespmem:s21+$0x1C60] =	vst v62  }
0x73: {  	[tilespmem:s21+$0x3830] =	vst v1;
	v1 =	vmul.u32 v59, v60  }
0x74: {  	[tilespmem:s21+$0x3870] =	vst v2  }
0x75: {  	s31 =	simm.s32 $0x1C00;
	s20 =	simm.s32 $0x3800;
	[tilespmem:s21+$0x3860] =	vst v1  }
0x76: {  	[tilespmem:s14], [sflag:$0x2] =	stream.indirect.gather.add.f32 [hbm:s3], $0x80, s31, s13, $0xb8;
	[tilespmem:$0xD400] =	vst v63  }
.LBB2_6:
0x77: {  	[tilespmem:s15], [sflag:$0x2] =	stream.indirect.gather.add.f32 [hbm:s3], $0x80, s20, s13, $0xb8;
	[tilespmem:$0xD400] =	vst v63  }
0x78: {  	s20 =	smov.u32 s19;
	p0 =	sne.s32 s19, $0x6200  }
.Ltmp2:
0x79: {  	s19 =	sadd.s32 $0x200, s19;
	(pc) =	sbr.rel @p0 .LBB2_6-.Ltmp2, $4  }
0x7a: {  	s20 =	sshra.s32 s20, $0x2  }
0x7b: {  	s21 =	sadd.s32 $0x1C00, s20  }
0x7c: {  	[tilespmem:s14], [sflag:$0x2] =	stream.indirect.gather.add.f32 [hbm:s3], $0x80, s21, s13, $0xb8;
	[tilespmem:$0xD400] =	vst v63  }
0x7d: {  	s20 =	sadd.s32 $0x3800, s20  }
0x7e: {  	[tilespmem:s15], [sflag:$0x2] =	stream.indirect.gather.add.f32 [hbm:s3], $0x80, s20, s13, $0xb8;
	[tilespmem:$0xD400] =	vst v63  }
0x7f: {  	_ =	swait.ge [sflag:s16], $0x4000  }
0x80: {  	[sflag:s16] =	ssyncset.done $0x0  }
0x81: {  	[sflag:s16] =	ssyncadd.s32 $0xFFFFC000  }
0x82: {  	_ =	swait.ge [sflag:s16], $0x4000  }
0x83: {  	s19 =	simm.s32 $0x31;
	[sflag:s16] =	ssyncset.done $0x0  }
.LBB2_8:
0x84: {  	p0 =	sne.s32 s19, $0x1;
	s19 =	sadd.s32 $0xFFFFFFFF, s19;
	[sflag:s16] =	ssyncadd.s32 $0xFFFFC000  }
.Ltmp3:
0x85: {  	_ =	swait.ge [sflag:s16], $0x4000;
	(pc) =	sbr.rel @p0 .LBB2_8-.Ltmp3, $4  }
0x86: {  	[sflag:s16] =	ssyncset.done $0x0  }
0x87: {  	[sflag:s16] =	ssyncadd.s32 $0xFFFFC000  }
0x88: {  	_ =	swait.ge [sflag:s16], $0x4000  }
0x89: {  	[sflag:s16] =	ssyncset.done $0x0  }
0x8a: {  	[sflag:s16] =	ssyncadd.s32 $0xFFFFC000  }
0x8b: {  	[hbm4b:s6+s2] =	stream.linear.scatter [tilespmem:s14], [sflag:$0x3], $0x4000, $0x38;
	[tilespmem:$0xD400] =	vst v63  }
0x8c: {  	s18 =	sadd.s32 $0x1, s18;
	_ =	swait.ge [sflag:s17], $0x4000  }
0x8d: {  	p0 =	sne.s32 s18, s8;
	[sflag:s17] =	ssyncset.done $0x0  }
.Ltmp4:
0x8e: {  	[sflag:s17] =	ssyncadd.s32 $0xFFFFC000;
	(pc) =	sbr.rel @p0 .LBB2_1-.Ltmp4, $4  }
0x8f: {  	[hbm4b:s7+s2] =	stream.linear.scatter [tilespmem:s15], [sflag:$0x3], $0x4000, $0x38;
	[tilespmem:$0xD400] =	vst v63  }
0x90: {  	_ =	swait.ge [sflag:s17], $0x4000  }
0x91: {  	[sflag:s17] =	ssyncset.done $0x0  }
0x92: {  	[sflag:s17] =	ssyncadd.s32 $0xFFFFC000  }
0x93: {  	_ =	sfence.sel $0x180000  }
0x94: {  	[bflag:$0x0] =	sbarrier.arrive $0xFFFF  }
0x95: {  	p0 =	sne.s32 s1, $0x0;
	_ =	strace $0x90000047  }
0x96: {  	s0 =	sadd.s32 @!p0 $0x100000, s0;
	[bflag:$0x2] =	sbarrier.arrive $0xFFFF  }
0x97: {  	[sflag:s0] =	ssyncadd.tile.s32 @!p0 $0x1;
	_ =	shalt  }
.Lfunc_end2:
_tile_overlayer_lowered:
.L_overlay_start_2:
0x98: {  	(tag) =	ssettag $0x2  }
0x99: {  	s0 =	rddreg [dreg:$0x0];
	s2 =	stileid.u32  }
0x9a: {  	s1 =	rddreg [dreg:$0x1];
	p0 =	sne.s32 s2, $0x0  }
0x9b: {  	s3 =	rddreg [dreg:$0x2];
	[bflag:$0x3] =	sbarrier.arrive $0xFFFF;
	s2 =	simm.s32 @!p0 $0x1C03  }
0x9c: {  	[timem:s3], [sflag:s2] =	dma.local @!p0 [hbm:s0], s1  }
0x9d: {  	s0 =	simm.s32 @!p0 $0x3  }
0x9e: {  	_ =	swait.ge @!p0 [sflag:s0], s1  }
0x9f: {  	s1 =	ssub.s32 @!p0 $0x0, s1;
	[sflag:s0] =	ssyncset.done @!p0 $0x0  }
0xa0: {  	[sflag:s0] =	ssyncadd.s32 @!p0 s1  }
0xa1: {  	[bflag:$0x3] =	sbarrier.arrive $0xFFFF  }
0xa2: {  	_ =	shalt  }

</sc_bundles>
